<compile_context>
chip_gen: v7x
topology: tpu7x:2x2x1
jax: 0.10.2.dev20260603
libtpu: 0.0.44.dev20260713+nightly
codegen_flags: <defaults>
</compile_context>

<pallas_src>
import functools

import jax
import jax.numpy as jnp
from jax import lax
from jax.experimental import pallas as pl
from jax.experimental.pallas import tpu as pltpu
from jax.experimental.pallas import tpu_sc as plsc

VOCAB = 1000000
D_MODEL = 64
BATCH = 4096
SEQ = 200

_INFO = plsc.get_sparse_core_info()
_NC = _INFO.num_cores
_NS = _INFO.num_subcores
_NW = _NC * _NS
_L = 16

_N = BATCH * SEQ
_C = 128
_PER_W = _N // _NW // _C
_NB = 3


def _make_kernel():
    mesh = plsc.VectorSubcoreMesh(core_axis_name="c", subcore_axis_name="s")

    @functools.partial(
        pl.kernel,
        mesh=mesh,
        out_type=jax.ShapeDtypeStruct((_N, D_MODEL), jnp.float32),
        scratch_types=(
            [pltpu.VMEM((_PER_W, _C), jnp.int32)]
            + [pltpu.VMEM((_C, 2 * D_MODEL), jnp.float32) for _ in range(_NB)]
            + [pltpu.VMEM((_C, D_MODEL), jnp.float32) for _ in range(_NB)]
            + [pltpu.SemaphoreType.DMA for _ in range(2 * _NB)]
        ),
        compiler_params=pltpu.CompilerParams(use_tc_tiling_on_sc=True,
                                             needs_layout_passes=False),
    )
    def body(idx_hbm, table_hbm, out_hbm, idx_v, *rest):
        gb = rest[:_NB]
        st = rest[_NB:2 * _NB]
        sg = rest[2 * _NB:3 * _NB]
        sw = rest[3 * _NB:]
        wid = lax.axis_index("s") * _NC + lax.axis_index("c")

        pltpu.sync_copy(idx_hbm.at[wid], idx_v)

        def g_start(r, b):
            pltpu.async_copy(table_hbm.at[idx_v.at[r]], gb[b], sg[b])

        def g_wait(r, b):
            pltpu.make_async_copy(table_hbm.at[idx_v.at[r]], gb[b],
                                  sg[b]).wait()

        def out_slc(r):
            base = pl.multiple_of(wid * (_PER_W * _C) + r * _C, 8)
            return out_hbm.at[pl.ds(base, _C), :]

        def w_start(r, b):
            pltpu.async_copy(st[b], out_slc(r), sw[b])

        def w_wait(r, b):
            pltpu.make_async_copy(st[b], out_slc(r), sw[b]).wait()

        def compact64(b):
            def jbody(j2, carry):
                j0 = j2 * 2
                vals = []
                for jj in range(2):
                    for v in range(D_MODEL // _L):
                        vals.append(gb[b][j0 + jj, pl.ds(v * _L, _L)])
                i = 0
                for jj in range(2):
                    for v in range(D_MODEL // _L):
                        st[b][j0 + jj, pl.ds(v * _L, _L)] = vals[i]
                        i += 1
                return carry

            lax.fori_loop(0, _C // 2, jbody, 0)

        for b in range(_NB):
            g_start(b, b)

        def step(j, carry):
            base = j * _NB
            for b in range(_NB):
                r = base + b
                g_wait(r, b)
                compact64(b)
                w_start(r, b)
                pb = (b - 1) % _NB
                pr = r + _NB - 1

                @pl.when(jnp.logical_and(pr >= _NB, pr < _PER_W))
                def _():
                    w_wait(pr - _NB, pb)
                    g_start(pr, pb)
            return carry

        lax.fori_loop(0, _PER_W // _NB, step, 0)

        for r in range(_PER_W - _PER_W % _NB, _PER_W):
            b = r % _NB
            g_wait(r, b)
            compact64(b)
            w_start(r, b)
        for r in range(_PER_W - _NB, _PER_W):
            w_wait(r, r % _NB)

    return body


_sc_kernel = _make_kernel()


def kernel(inp, table):
    idx3 = jnp.transpose(inp).reshape(_NW, _PER_W, _C)
    tableP = jnp.pad(table, ((0, 0), (0, D_MODEL)))
    out = _sc_kernel(idx3, tableP)
    return out.reshape(SEQ, BATCH, D_MODEL)

# --- scband reference (transcript-rebuilt; emitter-appended) ---
"""Pipeline reference for scband-encoder-17308718203488 (READ-ONLY COPY).

The authoritative reference and input builder live on the scoring server;
editing this copy changes nothing except your own understanding.
"""

import jax, jax.numpy as jnp
import numpy as np

VOCAB = 1000000
D_MODEL = 64
PAD_IDX = 0
BATCH = 4096
SEQ = 200


def setup_inputs(seed: int = 0) -> dict:
    key = jax.random.key(seed)
    k_idx, k_tab = jax.random.split(key)
    inp = jax.random.randint(k_idx, (BATCH, SEQ), 0, VOCAB, dtype=jnp.int64 if jax.config.jax_enable_x64 else jnp.int32)
    table = jax.random.normal(k_tab, (VOCAB, D_MODEL), dtype=jnp.float32)
    # nn.Embedding with padding_idx zeros that row at init
    table = table.at[PAD_IDX].set(0.0)
    return {"inp": inp, "table": table}


def reference(inp, table):
    # k_mask = inp == padding_idx (side-effect state; not part of returned output)
    k_mask = inp == PAD_IDX
    # embedding gather (padding row is zero in the table)
    x = jnp.take(table, inp, axis=0)  # (batch, seq, d_model)
    # dropout p=0.0 -> identity
    # permute(1, 0, 2) -> (seq, batch, d_model)
    x = jnp.transpose(x, (1, 0, 2))
    return x

if __name__ == "__main__":
    import jax
    _d = setup_inputs()
    print(jax.jit(kernel)(*tuple(_d.values())))

</pallas_src>

<mosaic_0001>
#map = affine_map<(d0, d1) -> (0, 0, 0)>
#map1 = affine_map<(d0, d1) -> (0, 0)>
module attributes {stable_mosaic.version = 14 : i64} {
  func.func @body(%arg0: i32, %arg1: i32, %arg2: memref<32x200x128xi32, #tpu.memory_space<hbm>>, %arg3: memref<1000000x128xf32, #tpu.memory_space<hbm>>, %arg4: memref<819200x64xf32, #tpu.memory_space<hbm>>, %arg5: memref<200x128xi32, #tpu.memory_space<vmem>>, %arg6: memref<128x128xf32, #tpu.memory_space<vmem>>, %arg7: memref<128x128xf32, #tpu.memory_space<vmem>>, %arg8: memref<128x128xf32, #tpu.memory_space<vmem>>, %arg9: memref<128x64xf32, #tpu.memory_space<vmem>>, %arg10: memref<128x64xf32, #tpu.memory_space<vmem>>, %arg11: memref<128x64xf32, #tpu.memory_space<vmem>>, %arg12: memref<!tpu.dma_semaphore, #tpu.memory_space<semaphore_mem>>, %arg13: memref<!tpu.dma_semaphore, #tpu.memory_space<semaphore_mem>>, %arg14: memref<!tpu.dma_semaphore, #tpu.memory_space<semaphore_mem>>, %arg15: memref<!tpu.dma_semaphore, #tpu.memory_space<semaphore_mem>>, %arg16: memref<!tpu.dma_semaphore, #tpu.memory_space<semaphore_mem>>, %arg17: memref<!tpu.dma_semaphore, #tpu.memory_space<semaphore_mem>>) attributes {dimension_semantics = [#tpu.dimension_semantics<core_parallel>, #tpu.dimension_semantics<subcore_parallel>], iteration_bounds = array<i64: 2, 16>, scalar_prefetch = 0 : i64, scratch_operands = 13 : i64, tpu.core_type = #tpu.core_type<sc_vector_subcore>, window_params = [{transform_indices = #map}, {transform_indices = #map1}, {transform_indices = #map1}]} {
    %mul3A = arith.constant 2 : i32
    %mul3A_0 = arith.muli %arg1, %mul3A : i32
    %add3A = arith.addi %mul3A_0, %arg0 : i32
    "tpu.region"() ({
      %run_scoped3A = tpu.sem_alloc : memref<!tpu.dma_semaphore, #tpu.memory_space<semaphore_mem>>
      %dma_start3A_95 = arith.constant 0 : i32
      %dma_start3A_96 = arith.constant 0 : i32
      %dma_start3A_97 = tpu.memref_slice %arg2[%add3A, %dma_start3A_95, %dma_start3A_96] : memref<32x200x128xi32, #tpu.memory_space<hbm>> -> memref<1x200x128xi32, #tpu.memory_space<hbm>>
      %dma_start3A_98 = tpu.memref_squeeze %dma_start3A_97 : memref<1x200x128xi32, #tpu.memory_space<hbm>> -> memref<200x128xi32, #tpu.memory_space<hbm>>
      %dma_start3A_99 = arith.constant 0 : i32
      %dma_start3A_100 = arith.constant 0 : i32
      %dma_start3A_101 = tpu.memref_slice %arg2[%add3A, %dma_start3A_99, %dma_start3A_100] : memref<32x200x128xi32, #tpu.memory_space<hbm>> -> memref<1x200x128xi32, #tpu.memory_space<hbm>>
      %dma_start3A_102 = tpu.memref_squeeze %dma_start3A_101 : memref<1x200x128xi32, #tpu.memory_space<hbm>> -> memref<200x128xi32, #tpu.memory_space<hbm>>
      tpu.enqueue_dma source(%dma_start3A_102 : memref<200x128xi32, #tpu.memory_space<hbm>>) target(%arg5 : memref<200x128xi32, #tpu.memory_space<vmem>>) target_semaphore(%run_scoped3A : memref<!tpu.dma_semaphore, #tpu.memory_space<semaphore_mem>>)
      %dma_wait3A_103 = arith.constant 0 : i32
      %dma_wait3A_104 = arith.constant 0 : i32
      %dma_wait3A_105 = tpu.memref_slice %arg2[%add3A, %dma_wait3A_103, %dma_wait3A_104] : memref<32x200x128xi32, #tpu.memory_space<hbm>> -> memref<1x200x128xi32, #tpu.memory_space<hbm>>
      %dma_wait3A_106 = tpu.memref_squeeze %dma_wait3A_105 : memref<1x200x128xi32, #tpu.memory_space<hbm>> -> memref<200x128xi32, #tpu.memory_space<hbm>>
      %dma_wait3A_107 = arith.constant 0 : i32
      %dma_wait3A_108 = arith.constant 0 : i32
      %dma_wait3A_109 = tpu.memref_slice %arg2[%add3A, %dma_wait3A_107, %dma_wait3A_108] : memref<32x200x128xi32, #tpu.memory_space<hbm>> -> memref<1x200x128xi32, #tpu.memory_space<hbm>>
      %dma_wait3A_110 = tpu.memref_squeeze %dma_wait3A_109 : memref<1x200x128xi32, #tpu.memory_space<hbm>> -> memref<200x128xi32, #tpu.memory_space<hbm>>
      tpu.wait_dma2 semaphore(%run_scoped3A : memref<!tpu.dma_semaphore, #tpu.memory_space<semaphore_mem>>) src(%dma_wait3A_110 : memref<200x128xi32, #tpu.memory_space<hbm>>) dst(%arg5 : memref<200x128xi32, #tpu.memory_space<vmem>>)
      tpu.yield
    }) : () -> ()
    %dma_start3A = arith.constant 0 : i32
    %dma_start3A_1 = arith.constant 0 : i32
    %dma_start3A_2 = tpu.memref_slice %arg5[%dma_start3A, %dma_start3A_1] : memref<200x128xi32, #tpu.memory_space<vmem>> -> memref<1x128xi32, #tpu.memory_space<vmem>>
    %dma_start3A_3 = tpu.memref_squeeze %dma_start3A_2 : memref<1x128xi32, #tpu.memory_space<vmem>> -> memref<128xi32, #tpu.memory_space<vmem>>
    %dma_start3A_4 = arith.constant 0 : i32
    %dma_start3A_5 = arith.constant 0 : i32
    %dma_start3A_6 = tpu.memref_slice %arg3[%dma_start3A_4, %dma_start3A_5] : memref<1000000x128xf32, #tpu.memory_space<hbm>> -> memref<1000000x128xf32, #tpu.memory_space<hbm>>
    tpu.enqueue_indirect_dma source(%dma_start3A_6 : memref<1000000x128xf32, #tpu.memory_space<hbm>>) target(%arg6 : memref<128x128xf32, #tpu.memory_space<vmem>>) offsets(%dma_start3A_3 : memref<128xi32, #tpu.memory_space<vmem>>) semaphore(%arg12 : memref<!tpu.dma_semaphore, #tpu.memory_space<semaphore_mem>>)
    %dma_start3A_7 = arith.constant 1 : i32
    %dma_start3A_8 = arith.constant 0 : i32
    %dma_start3A_9 = tpu.memref_slice %arg5[%dma_start3A_7, %dma_start3A_8] : memref<200x128xi32, #tpu.memory_space<vmem>> -> memref<1x128xi32, #tpu.memory_space<vmem>>
    %dma_start3A_10 = tpu.memref_squeeze %dma_start3A_9 : memref<1x128xi32, #tpu.memory_space<vmem>> -> memref<128xi32, #tpu.memory_space<vmem>>
    %dma_start3A_11 = arith.constant 0 : i32
    %dma_start3A_12 = arith.constant 0 : i32
    %dma_start3A_13 = tpu.memref_slice %arg3[%dma_start3A_11, %dma_start3A_12] : memref<1000000x128xf32, #tpu.memory_space<hbm>> -> memref<1000000x128xf32, #tpu.memory_space<hbm>>
    tpu.enqueue_indirect_dma source(%dma_start3A_13 : memref<1000000x128xf32, #tpu.memory_space<hbm>>) target(%arg7 : memref<128x128xf32, #tpu.memory_space<vmem>>) offsets(%dma_start3A_10 : memref<128xi32, #tpu.memory_space<vmem>>) semaphore(%arg13 : memref<!tpu.dma_semaphore, #tpu.memory_space<semaphore_mem>>)
    %dma_start3A_14 = arith.constant 2 : i32
    %dma_start3A_15 = arith.constant 0 : i32
    %dma_start3A_16 = tpu.memref_slice %arg5[%dma_start3A_14, %dma_start3A_15] : memref<200x128xi32, #tpu.memory_space<vmem>> -> memref<1x128xi32, #tpu.memory_space<vmem>>
    %dma_start3A_17 = tpu.memref_squeeze %dma_start3A_16 : memref<1x128xi32, #tpu.memory_space<vmem>> -> memref<128xi32, #tpu.memory_space<vmem>>
    %dma_start3A_18 = arith.constant 0 : i32
    %dma_start3A_19 = arith.constant 0 : i32
    %dma_start3A_20 = tpu.memref_slice %arg3[%dma_start3A_18, %dma_start3A_19] : memref<1000000x128xf32, #tpu.memory_space<hbm>> -> memref<1000000x128xf32, #tpu.memory_space<hbm>>
    tpu.enqueue_indirect_dma source(%dma_start3A_20 : memref<1000000x128xf32, #tpu.memory_space<hbm>>) target(%arg8 : memref<128x128xf32, #tpu.memory_space<vmem>>) offsets(%dma_start3A_17 : memref<128xi32, #tpu.memory_space<vmem>>) semaphore(%arg14 : memref<!tpu.dma_semaphore, #tpu.memory_space<semaphore_mem>>)
    %scan3A = arith.constant 0 : i32
    %scan3A_21 = arith.constant 0 : i32
    %scan3A_22 = arith.constant 66 : i32
    %scan3A_23 = arith.addi %scan3A_21, %scan3A_22 : i32
    %scan3A_24 = arith.constant 1 : i32
    scf.for %scan3A_95 = %scan3A_21 to %scan3A_23 step %scan3A_24  : i32 {
      %mul3A_96 = arith.constant 3 : i32
      %mul3A_97 = arith.muli %scan3A_95, %mul3A_96 : i32
      %add3A_98 = arith.constant 0 : i32
      %add3A_99 = arith.addi %mul3A_97, %add3A_98 : i32
      %dma_wait3A_100 = arith.constant 0 : i32
      %dma_wait3A_101 = tpu.memref_slice %arg5[%add3A_99, %dma_wait3A_100] : memref<200x128xi32, #tpu.memory_space<vmem>> -> memref<1x128xi32, #tpu.memory_space<vmem>>
      %dma_wait3A_102 = tpu.memref_squeeze %dma_wait3A_101 : memref<1x128xi32, #tpu.memory_space<vmem>> -> memref<128xi32, #tpu.memory_space<vmem>>
      %dma_wait3A_103 = arith.constant 0 : i32
      %dma_wait3A_104 = arith.constant 0 : i32
      %dma_wait3A_105 = tpu.memref_slice %arg3[%dma_wait3A_103, %dma_wait3A_104] : memref<1000000x128xf32, #tpu.memory_space<hbm>> -> memref<1000000x128xf32, #tpu.memory_space<hbm>>
      tpu.wait_indirect_dma semaphore(%arg12 : memref<!tpu.dma_semaphore, #tpu.memory_space<semaphore_mem>>) src(%dma_wait3A_105 : memref<1000000x128xf32, #tpu.memory_space<hbm>>) dst(%arg6 : memref<128x128xf32, #tpu.memory_space<vmem>>)
      %scan3A_106 = arith.constant 0 : i32
      %scan3A_107 = arith.constant 0 : i32
      %scan3A_108 = arith.constant 64 : i32
      %scan3A_109 = arith.addi %scan3A_107, %scan3A_108 : i32
      %scan3A_110 = arith.constant 1 : i32
      scf.for %scan3A_200 = %scan3A_107 to %scan3A_109 step %scan3A_110  : i32 {
        %mul3A_201 = arith.constant 2 : i32
        %mul3A_202 = arith.muli %scan3A_200, %mul3A_201 : i32
        %add3A_203 = arith.constant 0 : i32
        %add3A_204 = arith.addi %mul3A_202, %add3A_203 : i32
        %get3A = arith.index_cast %add3A_204 : i32 to index
        %get3A_205 = arith.constant 0 : index
        %get3A_206 = tpu.vector_load %arg6[%get3A, %get3A_205] {strides = array<i32>} : memref<128x128xf32, #tpu.memory_space<vmem>>, vector<16xf32>,
        %add3A_207 = arith.constant 0 : i32
        %add3A_208 = arith.addi %mul3A_202, %add3A_207 : i32
        %get3A_209 = arith.index_cast %add3A_208 : i32 to index
        %get3A_210 = arith.constant 16 : index
        %get3A_211 = tpu.vector_load %arg6[%get3A_209, %get3A_210] {strides = array<i32>} : memref<128x128xf32, #tpu.memory_space<vmem>>, vector<16xf32>,
        %add3A_212 = arith.constant 0 : i32
        %add3A_213 = arith.addi %mul3A_202, %add3A_212 : i32
        %get3A_214 = arith.index_cast %add3A_213 : i32 to index
        %get3A_215 = arith.constant 32 : index
        %get3A_216 = tpu.vector_load %arg6[%get3A_214, %get3A_215] {strides = array<i32>} : memref<128x128xf32, #tpu.memory_space<vmem>>, vector<16xf32>,
        %add3A_217 = arith.constant 0 : i32
        %add3A_218 = arith.addi %mul3A_202, %add3A_217 : i32
        %get3A_219 = arith.index_cast %add3A_218 : i32 to index
        %get3A_220 = arith.constant 48 : index
        %get3A_221 = tpu.vector_load %arg6[%get3A_219, %get3A_220] {strides = array<i32>} : memref<128x128xf32, #tpu.memory_space<vmem>>, vector<16xf32>,
        %add3A_222 = arith.constant 1 : i32
        %add3A_223 = arith.addi %mul3A_202, %add3A_222 : i32
        %get3A_224 = arith.index_cast %add3A_223 : i32 to index
        %get3A_225 = arith.constant 0 : index
        %get3A_226 = tpu.vector_load %arg6[%get3A_224, %get3A_225] {strides = array<i32>} : memref<128x128xf32, #tpu.memory_space<vmem>>, vector<16xf32>,
        %add3A_227 = arith.constant 1 : i32
        %add3A_228 = arith.addi %mul3A_202, %add3A_227 : i32
        %get3A_229 = arith.index_cast %add3A_228 : i32 to index
        %get3A_230 = arith.constant 16 : index
        %get3A_231 = tpu.vector_load %arg6[%get3A_229, %get3A_230] {strides = array<i32>} : memref<128x128xf32, #tpu.memory_space<vmem>>, vector<16xf32>,
        %add3A_232 = arith.constant 1 : i32
        %add3A_233 = arith.addi %mul3A_202, %add3A_232 : i32
        %get3A_234 = arith.index_cast %add3A_233 : i32 to index
        %get3A_235 = arith.constant 32 : index
        %get3A_236 = tpu.vector_load %arg6[%get3A_234, %get3A_235] {strides = array<i32>} : memref<128x128xf32, #tpu.memory_space<vmem>>, vector<16xf32>,
        %add3A_237 = arith.constant 1 : i32
        %add3A_238 = arith.addi %mul3A_202, %add3A_237 : i32
        %get3A_239 = arith.index_cast %add3A_238 : i32 to index
        %get3A_240 = arith.constant 48 : index
        %get3A_241 = tpu.vector_load %arg6[%get3A_239, %get3A_240] {strides = array<i32>} : memref<128x128xf32, #tpu.memory_space<vmem>>, vector<16xf32>,
        %add3A_242 = arith.constant 0 : i32
        %add3A_243 = arith.addi %mul3A_202, %add3A_242 : i32
        %swap3A = arith.index_cast %add3A_243 : i32 to index
        %swap3A_244 = arith.constant 0 : index
        %swap3A_245 = tpu.vector_load %arg9[%swap3A, %swap3A_244] {strides = array<i32>} : memref<128x64xf32, #tpu.memory_space<vmem>>, vector<16xf32>,
        tpu.vector_store %arg9[%swap3A, %swap3A_244], %get3A_206 {strides = array<i32>} : memref<128x64xf32, #tpu.memory_space<vmem>>, vector<16xf32>,
        %add3A_246 = arith.constant 0 : i32
        %add3A_247 = arith.addi %mul3A_202, %add3A_246 : i32
        %swap3A_248 = arith.index_cast %add3A_247 : i32 to index
        %swap3A_249 = arith.constant 16 : index
        %swap3A_250 = tpu.vector_load %arg9[%swap3A_248, %swap3A_249] {strides = array<i32>} : memref<128x64xf32, #tpu.memory_space<vmem>>, vector<16xf32>,
        tpu.vector_store %arg9[%swap3A_248, %swap3A_249], %get3A_211 {strides = array<i32>} : memref<128x64xf32, #tpu.memory_space<vmem>>, vector<16xf32>,
        %add3A_251 = arith.constant 0 : i32
        %add3A_252 = arith.addi %mul3A_202, %add3A_251 : i32
        %swap3A_253 = arith.index_cast %add3A_252 : i32 to index
        %swap3A_254 = arith.constant 32 : index
        %swap3A_255 = tpu.vector_load %arg9[%swap3A_253, %swap3A_254] {strides = array<i32>} : memref<128x64xf32, #tpu.memory_space<vmem>>, vector<16xf32>,
        tpu.vector_store %arg9[%swap3A_253, %swap3A_254], %get3A_216 {strides = array<i32>} : memref<128x64xf32, #tpu.memory_space<vmem>>, vector<16xf32>,
        %add3A_256 = arith.constant 0 : i32
        %add3A_257 = arith.addi %mul3A_202, %add3A_256 : i32
        %swap3A_258 = arith.index_cast %add3A_257 : i32 to index
        %swap3A_259 = arith.constant 48 : index
        %swap3A_260 = tpu.vector_load %arg9[%swap3A_258, %swap3A_259] {strides = array<i32>} : memref<128x64xf32, #tpu.memory_space<vmem>>, vector<16xf32>,
        tpu.vector_store %arg9[%swap3A_258, %swap3A_259], %get3A_221 {strides = array<i32>} : memref<128x64xf32, #tpu.memory_space<vmem>>, vector<16xf32>,
        %add3A_261 = arith.constant 1 : i32
        %add3A_262 = arith.addi %mul3A_202, %add3A_261 : i32
        %swap3A_263 = arith.index_cast %add3A_262 : i32 to index
        %swap3A_264 = arith.constant 0 : index
        %swap3A_265 = tpu.vector_load %arg9[%swap3A_263, %swap3A_264] {strides = array<i32>} : memref<128x64xf32, #tpu.memory_space<vmem>>, vector<16xf32>,
        tpu.vector_store %arg9[%swap3A_263, %swap3A_264], %get3A_226 {strides = array<i32>} : memref<128x64xf32, #tpu.memory_space<vmem>>, vector<16xf32>,
        %add3A_266 = arith.constant 1 : i32
        %add3A_267 = arith.addi %mul3A_202, %add3A_266 : i32
        %swap3A_268 = arith.index_cast %add3A_267 : i32 to index
        %swap3A_269 = arith.constant 16 : index
        %swap3A_270 = tpu.vector_load %arg9[%swap3A_268, %swap3A_269] {strides = array<i32>} : memref<128x64xf32, #tpu.memory_space<vmem>>, vector<16xf32>,
        tpu.vector_store %arg9[%swap3A_268, %swap3A_269], %get3A_231 {strides = array<i32>} : memref<128x64xf32, #tpu.memory_space<vmem>>, vector<16xf32>,
        %add3A_271 = arith.constant 1 : i32
        %add3A_272 = arith.addi %mul3A_202, %add3A_271 : i32
        %swap3A_273 = arith.index_cast %add3A_272 : i32 to index
        %swap3A_274 = arith.constant 32 : index
        %swap3A_275 = tpu.vector_load %arg9[%swap3A_273, %swap3A_274] {strides = array<i32>} : memref<128x64xf32, #tpu.memory_space<vmem>>, vector<16xf32>,
        tpu.vector_store %arg9[%swap3A_273, %swap3A_274], %get3A_236 {strides = array<i32>} : memref<128x64xf32, #tpu.memory_space<vmem>>, vector<16xf32>,
        %add3A_276 = arith.constant 1 : i32
        %add3A_277 = arith.addi %mul3A_202, %add3A_276 : i32
        %swap3A_278 = arith.index_cast %add3A_277 : i32 to index
        %swap3A_279 = arith.constant 48 : index
        %swap3A_280 = tpu.vector_load %arg9[%swap3A_278, %swap3A_279] {strides = array<i32>} : memref<128x64xf32, #tpu.memory_space<vmem>>, vector<16xf32>,
        tpu.vector_store %arg9[%swap3A_278, %swap3A_279], %get3A_241 {strides = array<i32>} : memref<128x64xf32, #tpu.memory_space<vmem>>, vector<16xf32>,
      }
      %scan3A_111 = arith.constant 64 : i32
      %mul3A_112 = arith.constant 25600 : i32
      %mul3A_113 = arith.muli %add3A, %mul3A_112 : i32
      %mul3A_114 = arith.constant 128 : i32
      %mul3A_115 = arith.muli %add3A_99, %mul3A_114 : i32
      %add3A_116 = arith.addi %mul3A_113, %mul3A_115 : i32
      %multiple_of3A_117 = tpu.assume_multiple %add3A_116, 8 : i32
      %dma_start3A_118 = arith.constant 0 : i32
      %dma_start3A_119 = tpu.memref_slice %arg4[%multiple_of3A_117, %dma_start3A_118] : memref<819200x64xf32, #tpu.memory_space<hbm>> -> memref<128x64xf32, #tpu.memory_space<hbm>>
      %dma_start3A_120 = arith.constant 0 : i32
      %dma_start3A_121 = tpu.memref_slice %arg4[%multiple_of3A_117, %dma_start3A_120] : memref<819200x64xf32, #tpu.memory_space<hbm>> -> memref<128x64xf32, #tpu.memory_space<hbm>>
      tpu.enqueue_dma source(%arg9 : memref<128x64xf32, #tpu.memory_space<vmem>>) target(%dma_start3A_121 : memref<128x64xf32, #tpu.memory_space<hbm>>) target_semaphore(%arg15 : memref<!tpu.dma_semaphore, #tpu.memory_space<semaphore_mem>>)
      %add3A_122 = arith.constant 3 : i32
      %add3A_123 = arith.addi %add3A_99, %add3A_122 : i32
      %sub3A = arith.constant 1 : i32
      %sub3A_124 = arith.subi %add3A_123, %sub3A : i32
      %ge3A = arith.constant 3 : i32
      %ge3A_125 = arith.cmpi sge, %sub3A_124, %ge3A : i32
      %lt3A = arith.constant 200 : i32
      %lt3A_126 = arith.cmpi slt, %sub3A_124, %lt3A : i32
      %and3A = arith.andi %ge3A_125, %lt3A_126 : i1
      %convert_element_type3A = arith.extui %and3A : i1 to i32
      %cond3A = arith.constant 0 : i32
      %cond3A_127 = arith.cmpi ne, %convert_element_type3A, %cond3A : i32
      scf.if %cond3A_127 {
        %sub3A_200 = arith.constant 3 : i32
        %sub3A_201 = arith.subi %sub3A_124, %sub3A_200 : i32
        %mul3A_202 = arith.constant 25600 : i32
        %mul3A_203 = arith.muli %add3A, %mul3A_202 : i32
        %mul3A_204 = arith.constant 128 : i32
        %mul3A_205 = arith.muli %sub3A_201, %mul3A_204 : i32
        %add3A_206 = arith.addi %mul3A_203, %mul3A_205 : i32
        %multiple_of3A_207 = tpu.assume_multiple %add3A_206, 8 : i32
        %dma_wait3A_208 = arith.constant 0 : i32
        %dma_wait3A_209 = tpu.memref_slice %arg4[%multiple_of3A_207, %dma_wait3A_208] : memref<819200x64xf32, #tpu.memory_space<hbm>> -> memref<128x64xf32, #tpu.memory_space<hbm>>
        %dma_wait3A_210 = arith.constant 0 : i32
        %dma_wait3A_211 = tpu.memref_slice %arg4[%multiple_of3A_207, %dma_wait3A_210] : memref<819200x64xf32, #tpu.memory_space<hbm>> -> memref<128x64xf32, #tpu.memory_space<hbm>>
        tpu.wait_dma2 semaphore(%arg17 : memref<!tpu.dma_semaphore, #tpu.memory_space<semaphore_mem>>) src(%arg11 : memref<128x64xf32, #tpu.memory_space<vmem>>) dst(%dma_wait3A_211 : memref<128x64xf32, #tpu.memory_space<hbm>>)
        %dma_start3A_212 = arith.constant 0 : i32
        %dma_start3A_213 = tpu.memref_slice %arg5[%sub3A_124, %dma_start3A_212] : memref<200x128xi32, #tpu.memory_space<vmem>> -> memref<1x128xi32, #tpu.memory_space<vmem>>
        %dma_start3A_214 = tpu.memref_squeeze %dma_start3A_213 : memref<1x128xi32, #tpu.memory_space<vmem>> -> memref<128xi32, #tpu.memory_space<vmem>>
        %dma_start3A_215 = arith.constant 0 : i32
        %dma_start3A_216 = arith.constant 0 : i32
        %dma_start3A_217 = tpu.memref_slice %arg3[%dma_start3A_215, %dma_start3A_216] : memref<1000000x128xf32, #tpu.memory_space<hbm>> -> memref<1000000x128xf32, #tpu.memory_space<hbm>>
        tpu.enqueue_indirect_dma source(%dma_start3A_217 : memref<1000000x128xf32, #tpu.memory_space<hbm>>) target(%arg8 : memref<128x128xf32, #tpu.memory_space<vmem>>) offsets(%dma_start3A_214 : memref<128xi32, #tpu.memory_space<vmem>>) semaphore(%arg14 : memref<!tpu.dma_semaphore, #tpu.memory_space<semaphore_mem>>)
      } else {
      }
      %add3A_128 = arith.constant 1 : i32
      %add3A_129 = arith.addi %mul3A_97, %add3A_128 : i32
      %dma_wait3A_130 = arith.constant 0 : i32
      %dma_wait3A_131 = tpu.memref_slice %arg5[%add3A_129, %dma_wait3A_130] : memref<200x128xi32, #tpu.memory_space<vmem>> -> memref<1x128xi32, #tpu.memory_space<vmem>>
      %dma_wait3A_132 = tpu.memref_squeeze %dma_wait3A_131 : memref<1x128xi32, #tpu.memory_space<vmem>> -> memref<128xi32, #tpu.memory_space<vmem>>
      %dma_wait3A_133 = arith.constant 0 : i32
      %dma_wait3A_134 = arith.constant 0 : i32
      %dma_wait3A_135 = tpu.memref_slice %arg3[%dma_wait3A_133, %dma_wait3A_134] : memref<1000000x128xf32, #tpu.memory_space<hbm>> -> memref<1000000x128xf32, #tpu.memory_space<hbm>>
      tpu.wait_indirect_dma semaphore(%arg13 : memref<!tpu.dma_semaphore, #tpu.memory_space<semaphore_mem>>) src(%dma_wait3A_135 : memref<1000000x128xf32, #tpu.memory_space<hbm>>) dst(%arg7 : memref<128x128xf32, #tpu.memory_space<vmem>>)
      %scan3A_136 = arith.constant 0 : i32
      %scan3A_137 = arith.constant 0 : i32
      %scan3A_138 = arith.constant 64 : i32
      %scan3A_139 = arith.addi %scan3A_137, %scan3A_138 : i32
      %scan3A_140 = arith.constant 1 : i32
      scf.for %scan3A_200 = %scan3A_137 to %scan3A_139 step %scan3A_140  : i32 {
        %mul3A_201 = arith.constant 2 : i32
        %mul3A_202 = arith.muli %scan3A_200, %mul3A_201 : i32
        %add3A_203 = arith.constant 0 : i32
        %add3A_204 = arith.addi %mul3A_202, %add3A_203 : i32
        %get3A = arith.index_cast %add3A_204 : i32 to index
        %get3A_205 = arith.constant 0 : index
        %get3A_206 = tpu.vector_load %arg7[%get3A, %get3A_205] {strides = array<i32>} : memref<128x128xf32, #tpu.memory_space<vmem>>, vector<16xf32>,
        %add3A_207 = arith.constant 0 : i32
        %add3A_208 = arith.addi %mul3A_202, %add3A_207 : i32
        %get3A_209 = arith.index_cast %add3A_208 : i32 to index
        %get3A_210 = arith.constant 16 : index
        %get3A_211 = tpu.vector_load %arg7[%get3A_209, %get3A_210] {strides = array<i32>} : memref<128x128xf32, #tpu.memory_space<vmem>>, vector<16xf32>,
        %add3A_212 = arith.constant 0 : i32
        %add3A_213 = arith.addi %mul3A_202, %add3A_212 : i32
        %get3A_214 = arith.index_cast %add3A_213 : i32 to index
        %get3A_215 = arith.constant 32 : index
        %get3A_216 = tpu.vector_load %arg7[%get3A_214, %get3A_215] {strides = array<i32>} : memref<128x128xf32, #tpu.memory_space<vmem>>, vector<16xf32>,
        %add3A_217 = arith.constant 0 : i32
        %add3A_218 = arith.addi %mul3A_202, %add3A_217 : i32
        %get3A_219 = arith.index_cast %add3A_218 : i32 to index
        %get3A_220 = arith.constant 48 : index
        %get3A_221 = tpu.vector_load %arg7[%get3A_219, %get3A_220] {strides = array<i32>} : memref<128x128xf32, #tpu.memory_space<vmem>>, vector<16xf32>,
        %add3A_222 = arith.constant 1 : i32
        %add3A_223 = arith.addi %mul3A_202, %add3A_222 : i32
        %get3A_224 = arith.index_cast %add3A_223 : i32 to index
        %get3A_225 = arith.constant 0 : index
        %get3A_226 = tpu.vector_load %arg7[%get3A_224, %get3A_225] {strides = array<i32>} : memref<128x128xf32, #tpu.memory_space<vmem>>, vector<16xf32>,
        %add3A_227 = arith.constant 1 : i32
        %add3A_228 = arith.addi %mul3A_202, %add3A_227 : i32
        %get3A_229 = arith.index_cast %add3A_228 : i32 to index
        %get3A_230 = arith.constant 16 : index
        %get3A_231 = tpu.vector_load %arg7[%get3A_229, %get3A_230] {strides = array<i32>} : memref<128x128xf32, #tpu.memory_space<vmem>>, vector<16xf32>,
        %add3A_232 = arith.constant 1 : i32
        %add3A_233 = arith.addi %mul3A_202, %add3A_232 : i32
        %get3A_234 = arith.index_cast %add3A_233 : i32 to index
        %get3A_235 = arith.constant 32 : index
        %get3A_236 = tpu.vector_load %arg7[%get3A_234, %get3A_235] {strides = array<i32>} : memref<128x128xf32, #tpu.memory_space<vmem>>, vector<16xf32>,
        %add3A_237 = arith.constant 1 : i32
        %add3A_238 = arith.addi %mul3A_202, %add3A_237 : i32
        %get3A_239 = arith.index_cast %add3A_238 : i32 to index
        %get3A_240 = arith.constant 48 : index
        %get3A_241 = tpu.vector_load %arg7[%get3A_239, %get3A_240] {strides = array<i32>} : memref<128x128xf32, #tpu.memory_space<vmem>>, vector<16xf32>,
        %add3A_242 = arith.constant 0 : i32
        %add3A_243 = arith.addi %mul3A_202, %add3A_242 : i32
        %swap3A = arith.index_cast %add3A_243 : i32 to index
        %swap3A_244 = arith.constant 0 : index
        %swap3A_245 = tpu.vector_load %arg10[%swap3A, %swap3A_244] {strides = array<i32>} : memref<128x64xf32, #tpu.memory_space<vmem>>, vector<16xf32>,
        tpu.vector_store %arg10[%swap3A, %swap3A_244], %get3A_206 {strides = array<i32>} : memref<128x64xf32, #tpu.memory_space<vmem>>, vector<16xf32>,
        %add3A_246 = arith.constant 0 : i32
        %add3A_247 = arith.addi %mul3A_202, %add3A_246 : i32
        %swap3A_248 = arith.index_cast %add3A_247 : i32 to index
        %swap3A_249 = arith.constant 16 : index
        %swap3A_250 = tpu.vector_load %arg10[%swap3A_248, %swap3A_249] {strides = array<i32>} : memref<128x64xf32, #tpu.memory_space<vmem>>, vector<16xf32>,
        tpu.vector_store %arg10[%swap3A_248, %swap3A_249], %get3A_211 {strides = array<i32>} : memref<128x64xf32, #tpu.memory_space<vmem>>, vector<16xf32>,
        %add3A_251 = arith.constant 0 : i32
        %add3A_252 = arith.addi %mul3A_202, %add3A_251 : i32
        %swap3A_253 = arith.index_cast %add3A_252 : i32 to index
        %swap3A_254 = arith.constant 32 : index
        %swap3A_255 = tpu.vector_load %arg10[%swap3A_253, %swap3A_254] {strides = array<i32>} : memref<128x64xf32, #tpu.memory_space<vmem>>, vector<16xf32>,
        tpu.vector_store %arg10[%swap3A_253, %swap3A_254], %get3A_216 {strides = array<i32>} : memref<128x64xf32, #tpu.memory_space<vmem>>, vector<16xf32>,
        %add3A_256 = arith.constant 0 : i32
        %add3A_257 = arith.addi %mul3A_202, %add3A_256 : i32
        %swap3A_258 = arith.index_cast %add3A_257 : i32 to index
        %swap3A_259 = arith.constant 48 : index
        %swap3A_260 = tpu.vector_load %arg10[%swap3A_258, %swap3A_259] {strides = array<i32>} : memref<128x64xf32, #tpu.memory_space<vmem>>, vector<16xf32>,
        tpu.vector_store %arg10[%swap3A_258, %swap3A_259], %get3A_221 {strides = array<i32>} : memref<128x64xf32, #tpu.memory_space<vmem>>, vector<16xf32>,
        %add3A_261 = arith.constant 1 : i32
        %add3A_262 = arith.addi %mul3A_202, %add3A_261 : i32
        %swap3A_263 = arith.index_cast %add3A_262 : i32 to index
        %swap3A_264 = arith.constant 0 : index
        %swap3A_265 = tpu.vector_load %arg10[%swap3A_263, %swap3A_264] {strides = array<i32>} : memref<128x64xf32, #tpu.memory_space<vmem>>, vector<16xf32>,
        tpu.vector_store %arg10[%swap3A_263, %swap3A_264], %get3A_226 {strides = array<i32>} : memref<128x64xf32, #tpu.memory_space<vmem>>, vector<16xf32>,
        %add3A_266 = arith.constant 1 : i32
        %add3A_267 = arith.addi %mul3A_202, %add3A_266 : i32
        %swap3A_268 = arith.index_cast %add3A_267 : i32 to index
        %swap3A_269 = arith.constant 16 : index
        %swap3A_270 = tpu.vector_load %arg10[%swap3A_268, %swap3A_269] {strides = array<i32>} : memref<128x64xf32, #tpu.memory_space<vmem>>, vector<16xf32>,
        tpu.vector_store %arg10[%swap3A_268, %swap3A_269], %get3A_231 {strides = array<i32>} : memref<128x64xf32, #tpu.memory_space<vmem>>, vector<16xf32>,
        %add3A_271 = arith.constant 1 : i32
        %add3A_272 = arith.addi %mul3A_202, %add3A_271 : i32
        %swap3A_273 = arith.index_cast %add3A_272 : i32 to index
        %swap3A_274 = arith.constant 32 : index
        %swap3A_275 = tpu.vector_load %arg10[%swap3A_273, %swap3A_274] {strides = array<i32>} : memref<128x64xf32, #tpu.memory_space<vmem>>, vector<16xf32>,
        tpu.vector_store %arg10[%swap3A_273, %swap3A_274], %get3A_236 {strides = array<i32>} : memref<128x64xf32, #tpu.memory_space<vmem>>, vector<16xf32>,
        %add3A_276 = arith.constant 1 : i32
        %add3A_277 = arith.addi %mul3A_202, %add3A_276 : i32
        %swap3A_278 = arith.index_cast %add3A_277 : i32 to index
        %swap3A_279 = arith.constant 48 : index
        %swap3A_280 = tpu.vector_load %arg10[%swap3A_278, %swap3A_279] {strides = array<i32>} : memref<128x64xf32, #tpu.memory_space<vmem>>, vector<16xf32>,
        tpu.vector_store %arg10[%swap3A_278, %swap3A_279], %get3A_241 {strides = array<i32>} : memref<128x64xf32, #tpu.memory_space<vmem>>, vector<16xf32>,
      }
      %scan3A_141 = arith.constant 64 : i32
      %mul3A_142 = arith.constant 25600 : i32
      %mul3A_143 = arith.muli %add3A, %mul3A_142 : i32
      %mul3A_144 = arith.constant 128 : i32
      %mul3A_145 = arith.muli %add3A_129, %mul3A_144 : i32
      %add3A_146 = arith.addi %mul3A_143, %mul3A_145 : i32
      %multiple_of3A_147 = tpu.assume_multiple %add3A_146, 8 : i32
      %dma_start3A_148 = arith.constant 0 : i32
      %dma_start3A_149 = tpu.memref_slice %arg4[%multiple_of3A_147, %dma_start3A_148] : memref<819200x64xf32, #tpu.memory_space<hbm>> -> memref<128x64xf32, #tpu.memory_space<hbm>>
      %dma_start3A_150 = arith.constant 0 : i32
      %dma_start3A_151 = tpu.memref_slice %arg4[%multiple_of3A_147, %dma_start3A_150] : memref<819200x64xf32, #tpu.memory_space<hbm>> -> memref<128x64xf32, #tpu.memory_space<hbm>>
      tpu.enqueue_dma source(%arg10 : memref<128x64xf32, #tpu.memory_space<vmem>>) target(%dma_start3A_151 : memref<128x64xf32, #tpu.memory_space<hbm>>) target_semaphore(%arg16 : memref<!tpu.dma_semaphore, #tpu.memory_space<semaphore_mem>>)
      %add3A_152 = arith.constant 3 : i32
      %add3A_153 = arith.addi %add3A_129, %add3A_152 : i32
      %sub3A_154 = arith.constant 1 : i32
      %sub3A_155 = arith.subi %add3A_153, %sub3A_154 : i32
      %ge3A_156 = arith.constant 3 : i32
      %ge3A_157 = arith.cmpi sge, %sub3A_155, %ge3A_156 : i32
      %lt3A_158 = arith.constant 200 : i32
      %lt3A_159 = arith.cmpi slt, %sub3A_155, %lt3A_158 : i32
      %and3A_160 = arith.andi %ge3A_157, %lt3A_159 : i1
      %convert_element_type3A_161 = arith.extui %and3A_160 : i1 to i32
      %cond3A_162 = arith.constant 0 : i32
      %cond3A_163 = arith.cmpi ne, %convert_element_type3A_161, %cond3A_162 : i32
      scf.if %cond3A_163 {
        %sub3A_200 = arith.constant 3 : i32
        %sub3A_201 = arith.subi %sub3A_155, %sub3A_200 : i32
        %mul3A_202 = arith.constant 25600 : i32
        %mul3A_203 = arith.muli %add3A, %mul3A_202 : i32
        %mul3A_204 = arith.constant 128 : i32
        %mul3A_205 = arith.muli %sub3A_201, %mul3A_204 : i32
        %add3A_206 = arith.addi %mul3A_203, %mul3A_205 : i32
        %multiple_of3A_207 = tpu.assume_multiple %add3A_206, 8 : i32
        %dma_wait3A_208 = arith.constant 0 : i32
        %dma_wait3A_209 = tpu.memref_slice %arg4[%multiple_of3A_207, %dma_wait3A_208] : memref<819200x64xf32, #tpu.memory_space<hbm>> -> memref<128x64xf32, #tpu.memory_space<hbm>>
        %dma_wait3A_210 = arith.constant 0 : i32
        %dma_wait3A_211 = tpu.memref_slice %arg4[%multiple_of3A_207, %dma_wait3A_210] : memref<819200x64xf32, #tpu.memory_space<hbm>> -> memref<128x64xf32, #tpu.memory_space<hbm>>
        tpu.wait_dma2 semaphore(%arg15 : memref<!tpu.dma_semaphore, #tpu.memory_space<semaphore_mem>>) src(%arg9 : memref<128x64xf32, #tpu.memory_space<vmem>>) dst(%dma_wait3A_211 : memref<128x64xf32, #tpu.memory_space<hbm>>)
        %dma_start3A_212 = arith.constant 0 : i32
        %dma_start3A_213 = tpu.memref_slice %arg5[%sub3A_155, %dma_start3A_212] : memref<200x128xi32, #tpu.memory_space<vmem>> -> memref<1x128xi32, #tpu.memory_space<vmem>>
        %dma_start3A_214 = tpu.memref_squeeze %dma_start3A_213 : memref<1x128xi32, #tpu.memory_space<vmem>> -> memref<128xi32, #tpu.memory_space<vmem>>
        %dma_start3A_215 = arith.constant 0 : i32
        %dma_start3A_216 = arith.constant 0 : i32
        %dma_start3A_217 = tpu.memref_slice %arg3[%dma_start3A_215, %dma_start3A_216] : memref<1000000x128xf32, #tpu.memory_space<hbm>> -> memref<1000000x128xf32, #tpu.memory_space<hbm>>
        tpu.enqueue_indirect_dma source(%dma_start3A_217 : memref<1000000x128xf32, #tpu.memory_space<hbm>>) target(%arg6 : memref<128x128xf32, #tpu.memory_space<vmem>>) offsets(%dma_start3A_214 : memref<128xi32, #tpu.memory_space<vmem>>) semaphore(%arg12 : memref<!tpu.dma_semaphore, #tpu.memory_space<semaphore_mem>>)
      } else {
      }
      %add3A_164 = arith.constant 2 : i32
      %add3A_165 = arith.addi %mul3A_97, %add3A_164 : i32
      %dma_wait3A_166 = arith.constant 0 : i32
      %dma_wait3A_167 = tpu.memref_slice %arg5[%add3A_165, %dma_wait3A_166] : memref<200x128xi32, #tpu.memory_space<vmem>> -> memref<1x128xi32, #tpu.memory_space<vmem>>
      %dma_wait3A_168 = tpu.memref_squeeze %dma_wait3A_167 : memref<1x128xi32, #tpu.memory_space<vmem>> -> memref<128xi32, #tpu.memory_space<vmem>>
      %dma_wait3A_169 = arith.constant 0 : i32
      %dma_wait3A_170 = arith.constant 0 : i32
      %dma_wait3A_171 = tpu.memref_slice %arg3[%dma_wait3A_169, %dma_wait3A_170] : memref<1000000x128xf32, #tpu.memory_space<hbm>> -> memref<1000000x128xf32, #tpu.memory_space<hbm>>
      tpu.wait_indirect_dma semaphore(%arg14 : memref<!tpu.dma_semaphore, #tpu.memory_space<semaphore_mem>>) src(%dma_wait3A_171 : memref<1000000x128xf32, #tpu.memory_space<hbm>>) dst(%arg8 : memref<128x128xf32, #tpu.memory_space<vmem>>)
      %scan3A_172 = arith.constant 0 : i32
      %scan3A_173 = arith.constant 0 : i32
      %scan3A_174 = arith.constant 64 : i32
      %scan3A_175 = arith.addi %scan3A_173, %scan3A_174 : i32
      %scan3A_176 = arith.constant 1 : i32
      scf.for %scan3A_200 = %scan3A_173 to %scan3A_175 step %scan3A_176  : i32 {
        %mul3A_201 = arith.constant 2 : i32
        %mul3A_202 = arith.muli %scan3A_200, %mul3A_201 : i32
        %add3A_203 = arith.constant 0 : i32
        %add3A_204 = arith.addi %mul3A_202, %add3A_203 : i32
        %get3A = arith.index_cast %add3A_204 : i32 to index
        %get3A_205 = arith.constant 0 : index
        %get3A_206 = tpu.vector_load %arg8[%get3A, %get3A_205] {strides = array<i32>} : memref<128x128xf32, #tpu.memory_space<vmem>>, vector<16xf32>,
        %add3A_207 = arith.constant 0 : i32
        %add3A_208 = arith.addi %mul3A_202, %add3A_207 : i32
        %get3A_209 = arith.index_cast %add3A_208 : i32 to index
        %get3A_210 = arith.constant 16 : index
        %get3A_211 = tpu.vector_load %arg8[%get3A_209, %get3A_210] {strides = array<i32>} : memref<128x128xf32, #tpu.memory_space<vmem>>, vector<16xf32>,
        %add3A_212 = arith.constant 0 : i32
        %add3A_213 = arith.addi %mul3A_202, %add3A_212 : i32
        %get3A_214 = arith.index_cast %add3A_213 : i32 to index
        %get3A_215 = arith.constant 32 : index
        %get3A_216 = tpu.vector_load %arg8[%get3A_214, %get3A_215] {strides = array<i32>} : memref<128x128xf32, #tpu.memory_space<vmem>>, vector<16xf32>,
        %add3A_217 = arith.constant 0 : i32
        %add3A_218 = arith.addi %mul3A_202, %add3A_217 : i32
        %get3A_219 = arith.index_cast %add3A_218 : i32 to index
        %get3A_220 = arith.constant 48 : index
        %get3A_221 = tpu.vector_load %arg8[%get3A_219, %get3A_220] {strides = array<i32>} : memref<128x128xf32, #tpu.memory_space<vmem>>, vector<16xf32>,
        %add3A_222 = arith.constant 1 : i32
        %add3A_223 = arith.addi %mul3A_202, %add3A_222 : i32
        %get3A_224 = arith.index_cast %add3A_223 : i32 to index
        %get3A_225 = arith.constant 0 : index
        %get3A_226 = tpu.vector_load %arg8[%get3A_224, %get3A_225] {strides = array<i32>} : memref<128x128xf32, #tpu.memory_space<vmem>>, vector<16xf32>,
        %add3A_227 = arith.constant 1 : i32
        %add3A_228 = arith.addi %mul3A_202, %add3A_227 : i32
        %get3A_229 = arith.index_cast %add3A_228 : i32 to index
        %get3A_230 = arith.constant 16 : index
        %get3A_231 = tpu.vector_load %arg8[%get3A_229, %get3A_230] {strides = array<i32>} : memref<128x128xf32, #tpu.memory_space<vmem>>, vector<16xf32>,
        %add3A_232 = arith.constant 1 : i32
        %add3A_233 = arith.addi %mul3A_202, %add3A_232 : i32
        %get3A_234 = arith.index_cast %add3A_233 : i32 to index
        %get3A_235 = arith.constant 32 : index
        %get3A_236 = tpu.vector_load %arg8[%get3A_234, %get3A_235] {strides = array<i32>} : memref<128x128xf32, #tpu.memory_space<vmem>>, vector<16xf32>,
        %add3A_237 = arith.constant 1 : i32
        %add3A_238 = arith.addi %mul3A_202, %add3A_237 : i32
        %get3A_239 = arith.index_cast %add3A_238 : i32 to index
        %get3A_240 = arith.constant 48 : index
        %get3A_241 = tpu.vector_load %arg8[%get3A_239, %get3A_240] {strides = array<i32>} : memref<128x128xf32, #tpu.memory_space<vmem>>, vector<16xf32>,
        %add3A_242 = arith.constant 0 : i32
        %add3A_243 = arith.addi %mul3A_202, %add3A_242 : i32
        %swap3A = arith.index_cast %add3A_243 : i32 to index
        %swap3A_244 = arith.constant 0 : index
        %swap3A_245 = tpu.vector_load %arg11[%swap3A, %swap3A_244] {strides = array<i32>} : memref<128x64xf32, #tpu.memory_space<vmem>>, vector<16xf32>,
        tpu.vector_store %arg11[%swap3A, %swap3A_244], %get3A_206 {strides = array<i32>} : memref<128x64xf32, #tpu.memory_space<vmem>>, vector<16xf32>,
        %add3A_246 = arith.constant 0 : i32
        %add3A_247 = arith.addi %mul3A_202, %add3A_246 : i32
        %swap3A_248 = arith.index_cast %add3A_247 : i32 to index
        %swap3A_249 = arith.constant 16 : index
        %swap3A_250 = tpu.vector_load %arg11[%swap3A_248, %swap3A_249] {strides = array<i32>} : memref<128x64xf32, #tpu.memory_space<vmem>>, vector<16xf32>,
        tpu.vector_store %arg11[%swap3A_248, %swap3A_249], %get3A_211 {strides = array<i32>} : memref<128x64xf32, #tpu.memory_space<vmem>>, vector<16xf32>,
        %add3A_251 = arith.constant 0 : i32
        %add3A_252 = arith.addi %mul3A_202, %add3A_251 : i32
        %swap3A_253 = arith.index_cast %add3A_252 : i32 to index
        %swap3A_254 = arith.constant 32 : index
        %swap3A_255 = tpu.vector_load %arg11[%swap3A_253, %swap3A_254] {strides = array<i32>} : memref<128x64xf32, #tpu.memory_space<vmem>>, vector<16xf32>,
        tpu.vector_store %arg11[%swap3A_253, %swap3A_254], %get3A_216 {strides = array<i32>} : memref<128x64xf32, #tpu.memory_space<vmem>>, vector<16xf32>,
        %add3A_256 = arith.constant 0 : i32
        %add3A_257 = arith.addi %mul3A_202, %add3A_256 : i32
        %swap3A_258 = arith.index_cast %add3A_257 : i32 to index
        %swap3A_259 = arith.constant 48 : index
        %swap3A_260 = tpu.vector_load %arg11[%swap3A_258, %swap3A_259] {strides = array<i32>} : memref<128x64xf32, #tpu.memory_space<vmem>>, vector<16xf32>,
        tpu.vector_store %arg11[%swap3A_258, %swap3A_259], %get3A_221 {strides = array<i32>} : memref<128x64xf32, #tpu.memory_space<vmem>>, vector<16xf32>,
        %add3A_261 = arith.constant 1 : i32
        %add3A_262 = arith.addi %mul3A_202, %add3A_261 : i32
        %swap3A_263 = arith.index_cast %add3A_262 : i32 to index
        %swap3A_264 = arith.constant 0 : index
        %swap3A_265 = tpu.vector_load %arg11[%swap3A_263, %swap3A_264] {strides = array<i32>} : memref<128x64xf32, #tpu.memory_space<vmem>>, vector<16xf32>,
        tpu.vector_store %arg11[%swap3A_263, %swap3A_264], %get3A_226 {strides = array<i32>} : memref<128x64xf32, #tpu.memory_space<vmem>>, vector<16xf32>,
        %add3A_266 = arith.constant 1 : i32
        %add3A_267 = arith.addi %mul3A_202, %add3A_266 : i32
        %swap3A_268 = arith.index_cast %add3A_267 : i32 to index
        %swap3A_269 = arith.constant 16 : index
        %swap3A_270 = tpu.vector_load %arg11[%swap3A_268, %swap3A_269] {strides = array<i32>} : memref<128x64xf32, #tpu.memory_space<vmem>>, vector<16xf32>,
        tpu.vector_store %arg11[%swap3A_268, %swap3A_269], %get3A_231 {strides = array<i32>} : memref<128x64xf32, #tpu.memory_space<vmem>>, vector<16xf32>,
        %add3A_271 = arith.constant 1 : i32
        %add3A_272 = arith.addi %mul3A_202, %add3A_271 : i32
        %swap3A_273 = arith.index_cast %add3A_272 : i32 to index
        %swap3A_274 = arith.constant 32 : index
        %swap3A_275 = tpu.vector_load %arg11[%swap3A_273, %swap3A_274] {strides = array<i32>} : memref<128x64xf32, #tpu.memory_space<vmem>>, vector<16xf32>,
        tpu.vector_store %arg11[%swap3A_273, %swap3A_274], %get3A_236 {strides = array<i32>} : memref<128x64xf32, #tpu.memory_space<vmem>>, vector<16xf32>,
        %add3A_276 = arith.constant 1 : i32
        %add3A_277 = arith.addi %mul3A_202, %add3A_276 : i32
        %swap3A_278 = arith.index_cast %add3A_277 : i32 to index
        %swap3A_279 = arith.constant 48 : index
        %swap3A_280 = tpu.vector_load %arg11[%swap3A_278, %swap3A_279] {strides = array<i32>} : memref<128x64xf32, #tpu.memory_space<vmem>>, vector<16xf32>,
        tpu.vector_store %arg11[%swap3A_278, %swap3A_279], %get3A_241 {strides = array<i32>} : memref<128x64xf32, #tpu.memory_space<vmem>>, vector<16xf32>,
      }
      %scan3A_177 = arith.constant 64 : i32
      %mul3A_178 = arith.constant 25600 : i32
      %mul3A_179 = arith.muli %add3A, %mul3A_178 : i32
      %mul3A_180 = arith.constant 128 : i32
      %mul3A_181 = arith.muli %add3A_165, %mul3A_180 : i32
      %add3A_182 = arith.addi %mul3A_179, %mul3A_181 : i32
      %multiple_of3A_183 = tpu.assume_multiple %add3A_182, 8 : i32
      %dma_start3A_184 = arith.constant 0 : i32
      %dma_start3A_185 = tpu.memref_slice %arg4[%multiple_of3A_183, %dma_start3A_184] : memref<819200x64xf32, #tpu.memory_space<hbm>> -> memref<128x64xf32, #tpu.memory_space<hbm>>
      %dma_start3A_186 = arith.constant 0 : i32
      %dma_start3A_187 = tpu.memref_slice %arg4[%multiple_of3A_183, %dma_start3A_186] : memref<819200x64xf32, #tpu.memory_space<hbm>> -> memref<128x64xf32, #tpu.memory_space<hbm>>
      tpu.enqueue_dma source(%arg11 : memref<128x64xf32, #tpu.memory_space<vmem>>) target(%dma_start3A_187 : memref<128x64xf32, #tpu.memory_space<hbm>>) target_semaphore(%arg17 : memref<!tpu.dma_semaphore, #tpu.memory_space<semaphore_mem>>)
      %add3A_188 = arith.constant 3 : i32
      %add3A_189 = arith.addi %add3A_165, %add3A_188 : i32
      %sub3A_190 = arith.constant 1 : i32
      %sub3A_191 = arith.subi %add3A_189, %sub3A_190 : i32
      %ge3A_192 = arith.constant 3 : i32
      %ge3A_193 = arith.cmpi sge, %sub3A_191, %ge3A_192 : i32
      %lt3A_194 = arith.constant 200 : i32
      %lt3A_195 = arith.cmpi slt, %sub3A_191, %lt3A_194 : i32
      %and3A_196 = arith.andi %ge3A_193, %lt3A_195 : i1
      %convert_element_type3A_197 = arith.extui %and3A_196 : i1 to i32
      %cond3A_198 = arith.constant 0 : i32
      %cond3A_199 = arith.cmpi ne, %convert_element_type3A_197, %cond3A_198 : i32
      scf.if %cond3A_199 {
        %sub3A_200 = arith.constant 3 : i32
        %sub3A_201 = arith.subi %sub3A_191, %sub3A_200 : i32
        %mul3A_202 = arith.constant 25600 : i32
        %mul3A_203 = arith.muli %add3A, %mul3A_202 : i32
        %mul3A_204 = arith.constant 128 : i32
        %mul3A_205 = arith.muli %sub3A_201, %mul3A_204 : i32
        %add3A_206 = arith.addi %mul3A_203, %mul3A_205 : i32
        %multiple_of3A_207 = tpu.assume_multiple %add3A_206, 8 : i32
        %dma_wait3A_208 = arith.constant 0 : i32
        %dma_wait3A_209 = tpu.memref_slice %arg4[%multiple_of3A_207, %dma_wait3A_208] : memref<819200x64xf32, #tpu.memory_space<hbm>> -> memref<128x64xf32, #tpu.memory_space<hbm>>
        %dma_wait3A_210 = arith.constant 0 : i32
        %dma_wait3A_211 = tpu.memref_slice %arg4[%multiple_of3A_207, %dma_wait3A_210] : memref<819200x64xf32, #tpu.memory_space<hbm>> -> memref<128x64xf32, #tpu.memory_space<hbm>>
        tpu.wait_dma2 semaphore(%arg16 : memref<!tpu.dma_semaphore, #tpu.memory_space<semaphore_mem>>) src(%arg10 : memref<128x64xf32, #tpu.memory_space<vmem>>) dst(%dma_wait3A_211 : memref<128x64xf32, #tpu.memory_space<hbm>>)
        %dma_start3A_212 = arith.constant 0 : i32
        %dma_start3A_213 = tpu.memref_slice %arg5[%sub3A_191, %dma_start3A_212] : memref<200x128xi32, #tpu.memory_space<vmem>> -> memref<1x128xi32, #tpu.memory_space<vmem>>
        %dma_start3A_214 = tpu.memref_squeeze %dma_start3A_213 : memref<1x128xi32, #tpu.memory_space<vmem>> -> memref<128xi32, #tpu.memory_space<vmem>>
        %dma_start3A_215 = arith.constant 0 : i32
        %dma_start3A_216 = arith.constant 0 : i32
        %dma_start3A_217 = tpu.memref_slice %arg3[%dma_start3A_215, %dma_start3A_216] : memref<1000000x128xf32, #tpu.memory_space<hbm>> -> memref<1000000x128xf32, #tpu.memory_space<hbm>>
        tpu.enqueue_indirect_dma source(%dma_start3A_217 : memref<1000000x128xf32, #tpu.memory_space<hbm>>) target(%arg7 : memref<128x128xf32, #tpu.memory_space<vmem>>) offsets(%dma_start3A_214 : memref<128xi32, #tpu.memory_space<vmem>>) semaphore(%arg13 : memref<!tpu.dma_semaphore, #tpu.memory_space<semaphore_mem>>)
      } else {
      }
    }
    %scan3A_25 = arith.constant 66 : i32
    %dma_wait3A = arith.constant 198 : i32
    %dma_wait3A_26 = arith.constant 0 : i32
    %dma_wait3A_27 = tpu.memref_slice %arg5[%dma_wait3A, %dma_wait3A_26] : memref<200x128xi32, #tpu.memory_space<vmem>> -> memref<1x128xi32, #tpu.memory_space<vmem>>
    %dma_wait3A_28 = tpu.memref_squeeze %dma_wait3A_27 : memref<1x128xi32, #tpu.memory_space<vmem>> -> memref<128xi32, #tpu.memory_space<vmem>>
    %dma_wait3A_29 = arith.constant 0 : i32
    %dma_wait3A_30 = arith.constant 0 : i32
    %dma_wait3A_31 = tpu.memref_slice %arg3[%dma_wait3A_29, %dma_wait3A_30] : memref<1000000x128xf32, #tpu.memory_space<hbm>> -> memref<1000000x128xf32, #tpu.memory_space<hbm>>
    tpu.wait_indirect_dma semaphore(%arg12 : memref<!tpu.dma_semaphore, #tpu.memory_space<semaphore_mem>>) src(%dma_wait3A_31 : memref<1000000x128xf32, #tpu.memory_space<hbm>>) dst(%arg6 : memref<128x128xf32, #tpu.memory_space<vmem>>)
    %scan3A_32 = arith.constant 0 : i32
    %scan3A_33 = arith.constant 0 : i32
    %scan3A_34 = arith.constant 64 : i32
    %scan3A_35 = arith.addi %scan3A_33, %scan3A_34 : i32
    %scan3A_36 = arith.constant 1 : i32
    scf.for %scan3A_95 = %scan3A_33 to %scan3A_35 step %scan3A_36  : i32 {
      %mul3A_96 = arith.constant 2 : i32
      %mul3A_97 = arith.muli %scan3A_95, %mul3A_96 : i32
      %add3A_98 = arith.constant 0 : i32
      %add3A_99 = arith.addi %mul3A_97, %add3A_98 : i32
      %get3A = arith.index_cast %add3A_99 : i32 to index
      %get3A_100 = arith.constant 0 : index
      %get3A_101 = tpu.vector_load %arg6[%get3A, %get3A_100] {strides = array<i32>} : memref<128x128xf32, #tpu.memory_space<vmem>>, vector<16xf32>,
      %add3A_102 = arith.constant 0 : i32
      %add3A_103 = arith.addi %mul3A_97, %add3A_102 : i32
      %get3A_104 = arith.index_cast %add3A_103 : i32 to index
      %get3A_105 = arith.constant 16 : index
      %get3A_106 = tpu.vector_load %arg6[%get3A_104, %get3A_105] {strides = array<i32>} : memref<128x128xf32, #tpu.memory_space<vmem>>, vector<16xf32>,
      %add3A_107 = arith.constant 0 : i32
      %add3A_108 = arith.addi %mul3A_97, %add3A_107 : i32
      %get3A_109 = arith.index_cast %add3A_108 : i32 to index
      %get3A_110 = arith.constant 32 : index
      %get3A_111 = tpu.vector_load %arg6[%get3A_109, %get3A_110] {strides = array<i32>} : memref<128x128xf32, #tpu.memory_space<vmem>>, vector<16xf32>,
      %add3A_112 = arith.constant 0 : i32
      %add3A_113 = arith.addi %mul3A_97, %add3A_112 : i32
      %get3A_114 = arith.index_cast %add3A_113 : i32 to index
      %get3A_115 = arith.constant 48 : index
      %get3A_116 = tpu.vector_load %arg6[%get3A_114, %get3A_115] {strides = array<i32>} : memref<128x128xf32, #tpu.memory_space<vmem>>, vector<16xf32>,
      %add3A_117 = arith.constant 1 : i32
      %add3A_118 = arith.addi %mul3A_97, %add3A_117 : i32
      %get3A_119 = arith.index_cast %add3A_118 : i32 to index
      %get3A_120 = arith.constant 0 : index
      %get3A_121 = tpu.vector_load %arg6[%get3A_119, %get3A_120] {strides = array<i32>} : memref<128x128xf32, #tpu.memory_space<vmem>>, vector<16xf32>,
      %add3A_122 = arith.constant 1 : i32
      %add3A_123 = arith.addi %mul3A_97, %add3A_122 : i32
      %get3A_124 = arith.index_cast %add3A_123 : i32 to index
      %get3A_125 = arith.constant 16 : index
      %get3A_126 = tpu.vector_load %arg6[%get3A_124, %get3A_125] {strides = array<i32>} : memref<128x128xf32, #tpu.memory_space<vmem>>, vector<16xf32>,
      %add3A_127 = arith.constant 1 : i32
      %add3A_128 = arith.addi %mul3A_97, %add3A_127 : i32
      %get3A_129 = arith.index_cast %add3A_128 : i32 to index
      %get3A_130 = arith.constant 32 : index
      %get3A_131 = tpu.vector_load %arg6[%get3A_129, %get3A_130] {strides = array<i32>} : memref<128x128xf32, #tpu.memory_space<vmem>>, vector<16xf32>,
      %add3A_132 = arith.constant 1 : i32
      %add3A_133 = arith.addi %mul3A_97, %add3A_132 : i32
      %get3A_134 = arith.index_cast %add3A_133 : i32 to index
      %get3A_135 = arith.constant 48 : index
      %get3A_136 = tpu.vector_load %arg6[%get3A_134, %get3A_135] {strides = array<i32>} : memref<128x128xf32, #tpu.memory_space<vmem>>, vector<16xf32>,
      %add3A_137 = arith.constant 0 : i32
      %add3A_138 = arith.addi %mul3A_97, %add3A_137 : i32
      %swap3A = arith.index_cast %add3A_138 : i32 to index
      %swap3A_139 = arith.constant 0 : index
      %swap3A_140 = tpu.vector_load %arg9[%swap3A, %swap3A_139] {strides = array<i32>} : memref<128x64xf32, #tpu.memory_space<vmem>>, vector<16xf32>,
      tpu.vector_store %arg9[%swap3A, %swap3A_139], %get3A_101 {strides = array<i32>} : memref<128x64xf32, #tpu.memory_space<vmem>>, vector<16xf32>,
      %add3A_141 = arith.constant 0 : i32
      %add3A_142 = arith.addi %mul3A_97, %add3A_141 : i32
      %swap3A_143 = arith.index_cast %add3A_142 : i32 to index
      %swap3A_144 = arith.constant 16 : index
      %swap3A_145 = tpu.vector_load %arg9[%swap3A_143, %swap3A_144] {strides = array<i32>} : memref<128x64xf32, #tpu.memory_space<vmem>>, vector<16xf32>,
      tpu.vector_store %arg9[%swap3A_143, %swap3A_144], %get3A_106 {strides = array<i32>} : memref<128x64xf32, #tpu.memory_space<vmem>>, vector<16xf32>,
      %add3A_146 = arith.constant 0 : i32
      %add3A_147 = arith.addi %mul3A_97, %add3A_146 : i32
      %swap3A_148 = arith.index_cast %add3A_147 : i32 to index
      %swap3A_149 = arith.constant 32 : index
      %swap3A_150 = tpu.vector_load %arg9[%swap3A_148, %swap3A_149] {strides = array<i32>} : memref<128x64xf32, #tpu.memory_space<vmem>>, vector<16xf32>,
      tpu.vector_store %arg9[%swap3A_148, %swap3A_149], %get3A_111 {strides = array<i32>} : memref<128x64xf32, #tpu.memory_space<vmem>>, vector<16xf32>,
      %add3A_151 = arith.constant 0 : i32
      %add3A_152 = arith.addi %mul3A_97, %add3A_151 : i32
      %swap3A_153 = arith.index_cast %add3A_152 : i32 to index
      %swap3A_154 = arith.constant 48 : index
      %swap3A_155 = tpu.vector_load %arg9[%swap3A_153, %swap3A_154] {strides = array<i32>} : memref<128x64xf32, #tpu.memory_space<vmem>>, vector<16xf32>,
      tpu.vector_store %arg9[%swap3A_153, %swap3A_154], %get3A_116 {strides = array<i32>} : memref<128x64xf32, #tpu.memory_space<vmem>>, vector<16xf32>,
      %add3A_156 = arith.constant 1 : i32
      %add3A_157 = arith.addi %mul3A_97, %add3A_156 : i32
      %swap3A_158 = arith.index_cast %add3A_157 : i32 to index
      %swap3A_159 = arith.constant 0 : index
      %swap3A_160 = tpu.vector_load %arg9[%swap3A_158, %swap3A_159] {strides = array<i32>} : memref<128x64xf32, #tpu.memory_space<vmem>>, vector<16xf32>,
      tpu.vector_store %arg9[%swap3A_158, %swap3A_159], %get3A_121 {strides = array<i32>} : memref<128x64xf32, #tpu.memory_space<vmem>>, vector<16xf32>,
      %add3A_161 = arith.constant 1 : i32
      %add3A_162 = arith.addi %mul3A_97, %add3A_161 : i32
      %swap3A_163 = arith.index_cast %add3A_162 : i32 to index
      %swap3A_164 = arith.constant 16 : index
      %swap3A_165 = tpu.vector_load %arg9[%swap3A_163, %swap3A_164] {strides = array<i32>} : memref<128x64xf32, #tpu.memory_space<vmem>>, vector<16xf32>,
      tpu.vector_store %arg9[%swap3A_163, %swap3A_164], %get3A_126 {strides = array<i32>} : memref<128x64xf32, #tpu.memory_space<vmem>>, vector<16xf32>,
      %add3A_166 = arith.constant 1 : i32
      %add3A_167 = arith.addi %mul3A_97, %add3A_166 : i32
      %swap3A_168 = arith.index_cast %add3A_167 : i32 to index
      %swap3A_169 = arith.constant 32 : index
      %swap3A_170 = tpu.vector_load %arg9[%swap3A_168, %swap3A_169] {strides = array<i32>} : memref<128x64xf32, #tpu.memory_space<vmem>>, vector<16xf32>,
      tpu.vector_store %arg9[%swap3A_168, %swap3A_169], %get3A_131 {strides = array<i32>} : memref<128x64xf32, #tpu.memory_space<vmem>>, vector<16xf32>,
      %add3A_171 = arith.constant 1 : i32
      %add3A_172 = arith.addi %mul3A_97, %add3A_171 : i32
      %swap3A_173 = arith.index_cast %add3A_172 : i32 to index
      %swap3A_174 = arith.constant 48 : index
      %swap3A_175 = tpu.vector_load %arg9[%swap3A_173, %swap3A_174] {strides = array<i32>} : memref<128x64xf32, #tpu.memory_space<vmem>>, vector<16xf32>,
      tpu.vector_store %arg9[%swap3A_173, %swap3A_174], %get3A_136 {strides = array<i32>} : memref<128x64xf32, #tpu.memory_space<vmem>>, vector<16xf32>,
    }
    %scan3A_37 = arith.constant 64 : i32
    %mul3A_38 = arith.constant 25600 : i32
    %mul3A_39 = arith.muli %add3A, %mul3A_38 : i32
    %add3A_40 = arith.constant 25344 : i32
    %add3A_41 = arith.addi %mul3A_39, %add3A_40 : i32
    %multiple_of3A = tpu.assume_multiple %add3A_41, 8 : i32
    %dma_start3A_42 = arith.constant 0 : i32
    %dma_start3A_43 = tpu.memref_slice %arg4[%multiple_of3A, %dma_start3A_42] : memref<819200x64xf32, #tpu.memory_space<hbm>> -> memref<128x64xf32, #tpu.memory_space<hbm>>
    %dma_start3A_44 = arith.constant 0 : i32
    %dma_start3A_45 = tpu.memref_slice %arg4[%multiple_of3A, %dma_start3A_44] : memref<819200x64xf32, #tpu.memory_space<hbm>> -> memref<128x64xf32, #tpu.memory_space<hbm>>
    tpu.enqueue_dma source(%arg9 : memref<128x64xf32, #tpu.memory_space<vmem>>) target(%dma_start3A_45 : memref<128x64xf32, #tpu.memory_space<hbm>>) target_semaphore(%arg15 : memref<!tpu.dma_semaphore, #tpu.memory_space<semaphore_mem>>)
    %dma_wait3A_46 = arith.constant 199 : i32
    %dma_wait3A_47 = arith.constant 0 : i32
    %dma_wait3A_48 = tpu.memref_slice %arg5[%dma_wait3A_46, %dma_wait3A_47] : memref<200x128xi32, #tpu.memory_space<vmem>> -> memref<1x128xi32, #tpu.memory_space<vmem>>
    %dma_wait3A_49 = tpu.memref_squeeze %dma_wait3A_48 : memref<1x128xi32, #tpu.memory_space<vmem>> -> memref<128xi32, #tpu.memory_space<vmem>>
    %dma_wait3A_50 = arith.constant 0 : i32
    %dma_wait3A_51 = arith.constant 0 : i32
    %dma_wait3A_52 = tpu.memref_slice %arg3[%dma_wait3A_50, %dma_wait3A_51] : memref<1000000x128xf32, #tpu.memory_space<hbm>> -> memref<1000000x128xf32, #tpu.memory_space<hbm>>
    tpu.wait_indirect_dma semaphore(%arg13 : memref<!tpu.dma_semaphore, #tpu.memory_space<semaphore_mem>>) src(%dma_wait3A_52 : memref<1000000x128xf32, #tpu.memory_space<hbm>>) dst(%arg7 : memref<128x128xf32, #tpu.memory_space<vmem>>)
    %scan3A_53 = arith.constant 0 : i32
    %scan3A_54 = arith.constant 0 : i32
    %scan3A_55 = arith.constant 64 : i32
    %scan3A_56 = arith.addi %scan3A_54, %scan3A_55 : i32
    %scan3A_57 = arith.constant 1 : i32
    scf.for %scan3A_95 = %scan3A_54 to %scan3A_56 step %scan3A_57  : i32 {
      %mul3A_96 = arith.constant 2 : i32
      %mul3A_97 = arith.muli %scan3A_95, %mul3A_96 : i32
      %add3A_98 = arith.constant 0 : i32
      %add3A_99 = arith.addi %mul3A_97, %add3A_98 : i32
      %get3A = arith.index_cast %add3A_99 : i32 to index
      %get3A_100 = arith.constant 0 : index
      %get3A_101 = tpu.vector_load %arg7[%get3A, %get3A_100] {strides = array<i32>} : memref<128x128xf32, #tpu.memory_space<vmem>>, vector<16xf32>,
      %add3A_102 = arith.constant 0 : i32
      %add3A_103 = arith.addi %mul3A_97, %add3A_102 : i32
      %get3A_104 = arith.index_cast %add3A_103 : i32 to index
      %get3A_105 = arith.constant 16 : index
      %get3A_106 = tpu.vector_load %arg7[%get3A_104, %get3A_105] {strides = array<i32>} : memref<128x128xf32, #tpu.memory_space<vmem>>, vector<16xf32>,
      %add3A_107 = arith.constant 0 : i32
      %add3A_108 = arith.addi %mul3A_97, %add3A_107 : i32
      %get3A_109 = arith.index_cast %add3A_108 : i32 to index
      %get3A_110 = arith.constant 32 : index
      %get3A_111 = tpu.vector_load %arg7[%get3A_109, %get3A_110] {strides = array<i32>} : memref<128x128xf32, #tpu.memory_space<vmem>>, vector<16xf32>,
      %add3A_112 = arith.constant 0 : i32
      %add3A_113 = arith.addi %mul3A_97, %add3A_112 : i32
      %get3A_114 = arith.index_cast %add3A_113 : i32 to index
      %get3A_115 = arith.constant 48 : index
      %get3A_116 = tpu.vector_load %arg7[%get3A_114, %get3A_115] {strides = array<i32>} : memref<128x128xf32, #tpu.memory_space<vmem>>, vector<16xf32>,
      %add3A_117 = arith.constant 1 : i32
      %add3A_118 = arith.addi %mul3A_97, %add3A_117 : i32
      %get3A_119 = arith.index_cast %add3A_118 : i32 to index
      %get3A_120 = arith.constant 0 : index
      %get3A_121 = tpu.vector_load %arg7[%get3A_119, %get3A_120] {strides = array<i32>} : memref<128x128xf32, #tpu.memory_space<vmem>>, vector<16xf32>,
      %add3A_122 = arith.constant 1 : i32
      %add3A_123 = arith.addi %mul3A_97, %add3A_122 : i32
      %get3A_124 = arith.index_cast %add3A_123 : i32 to index
      %get3A_125 = arith.constant 16 : index
      %get3A_126 = tpu.vector_load %arg7[%get3A_124, %get3A_125] {strides = array<i32>} : memref<128x128xf32, #tpu.memory_space<vmem>>, vector<16xf32>,
      %add3A_127 = arith.constant 1 : i32
      %add3A_128 = arith.addi %mul3A_97, %add3A_127 : i32
      %get3A_129 = arith.index_cast %add3A_128 : i32 to index
      %get3A_130 = arith.constant 32 : index
      %get3A_131 = tpu.vector_load %arg7[%get3A_129, %get3A_130] {strides = array<i32>} : memref<128x128xf32, #tpu.memory_space<vmem>>, vector<16xf32>,
      %add3A_132 = arith.constant 1 : i32
      %add3A_133 = arith.addi %mul3A_97, %add3A_132 : i32
      %get3A_134 = arith.index_cast %add3A_133 : i32 to index
      %get3A_135 = arith.constant 48 : index
      %get3A_136 = tpu.vector_load %arg7[%get3A_134, %get3A_135] {strides = array<i32>} : memref<128x128xf32, #tpu.memory_space<vmem>>, vector<16xf32>,
      %add3A_137 = arith.constant 0 : i32
      %add3A_138 = arith.addi %mul3A_97, %add3A_137 : i32
      %swap3A = arith.index_cast %add3A_138 : i32 to index
      %swap3A_139 = arith.constant 0 : index
      %swap3A_140 = tpu.vector_load %arg10[%swap3A, %swap3A_139] {strides = array<i32>} : memref<128x64xf32, #tpu.memory_space<vmem>>, vector<16xf32>,
      tpu.vector_store %arg10[%swap3A, %swap3A_139], %get3A_101 {strides = array<i32>} : memref<128x64xf32, #tpu.memory_space<vmem>>, vector<16xf32>,
      %add3A_141 = arith.constant 0 : i32
      %add3A_142 = arith.addi %mul3A_97, %add3A_141 : i32
      %swap3A_143 = arith.index_cast %add3A_142 : i32 to index
      %swap3A_144 = arith.constant 16 : index
      %swap3A_145 = tpu.vector_load %arg10[%swap3A_143, %swap3A_144] {strides = array<i32>} : memref<128x64xf32, #tpu.memory_space<vmem>>, vector<16xf32>,
      tpu.vector_store %arg10[%swap3A_143, %swap3A_144], %get3A_106 {strides = array<i32>} : memref<128x64xf32, #tpu.memory_space<vmem>>, vector<16xf32>,
      %add3A_146 = arith.constant 0 : i32
      %add3A_147 = arith.addi %mul3A_97, %add3A_146 : i32
      %swap3A_148 = arith.index_cast %add3A_147 : i32 to index
      %swap3A_149 = arith.constant 32 : index
      %swap3A_150 = tpu.vector_load %arg10[%swap3A_148, %swap3A_149] {strides = array<i32>} : memref<128x64xf32, #tpu.memory_space<vmem>>, vector<16xf32>,
      tpu.vector_store %arg10[%swap3A_148, %swap3A_149], %get3A_111 {strides = array<i32>} : memref<128x64xf32, #tpu.memory_space<vmem>>, vector<16xf32>,
      %add3A_151 = arith.constant 0 : i32
      %add3A_152 = arith.addi %mul3A_97, %add3A_151 : i32
      %swap3A_153 = arith.index_cast %add3A_152 : i32 to index
      %swap3A_154 = arith.constant 48 : index
      %swap3A_155 = tpu.vector_load %arg10[%swap3A_153, %swap3A_154] {strides = array<i32>} : memref<128x64xf32, #tpu.memory_space<vmem>>, vector<16xf32>,
      tpu.vector_store %arg10[%swap3A_153, %swap3A_154], %get3A_116 {strides = array<i32>} : memref<128x64xf32, #tpu.memory_space<vmem>>, vector<16xf32>,
      %add3A_156 = arith.constant 1 : i32
      %add3A_157 = arith.addi %mul3A_97, %add3A_156 : i32
      %swap3A_158 = arith.index_cast %add3A_157 : i32 to index
      %swap3A_159 = arith.constant 0 : index
      %swap3A_160 = tpu.vector_load %arg10[%swap3A_158, %swap3A_159] {strides = array<i32>} : memref<128x64xf32, #tpu.memory_space<vmem>>, vector<16xf32>,
      tpu.vector_store %arg10[%swap3A_158, %swap3A_159], %get3A_121 {strides = array<i32>} : memref<128x64xf32, #tpu.memory_space<vmem>>, vector<16xf32>,
      %add3A_161 = arith.constant 1 : i32
      %add3A_162 = arith.addi %mul3A_97, %add3A_161 : i32
      %swap3A_163 = arith.index_cast %add3A_162 : i32 to index
      %swap3A_164 = arith.constant 16 : index
      %swap3A_165 = tpu.vector_load %arg10[%swap3A_163, %swap3A_164] {strides = array<i32>} : memref<128x64xf32, #tpu.memory_space<vmem>>, vector<16xf32>,
      tpu.vector_store %arg10[%swap3A_163, %swap3A_164], %get3A_126 {strides = array<i32>} : memref<128x64xf32, #tpu.memory_space<vmem>>, vector<16xf32>,
      %add3A_166 = arith.constant 1 : i32
      %add3A_167 = arith.addi %mul3A_97, %add3A_166 : i32
      %swap3A_168 = arith.index_cast %add3A_167 : i32 to index
      %swap3A_169 = arith.constant 32 : index
      %swap3A_170 = tpu.vector_load %arg10[%swap3A_168, %swap3A_169] {strides = array<i32>} : memref<128x64xf32, #tpu.memory_space<vmem>>, vector<16xf32>,
      tpu.vector_store %arg10[%swap3A_168, %swap3A_169], %get3A_131 {strides = array<i32>} : memref<128x64xf32, #tpu.memory_space<vmem>>, vector<16xf32>,
      %add3A_171 = arith.constant 1 : i32
      %add3A_172 = arith.addi %mul3A_97, %add3A_171 : i32
      %swap3A_173 = arith.index_cast %add3A_172 : i32 to index
      %swap3A_174 = arith.constant 48 : index
      %swap3A_175 = tpu.vector_load %arg10[%swap3A_173, %swap3A_174] {strides = array<i32>} : memref<128x64xf32, #tpu.memory_space<vmem>>, vector<16xf32>,
      tpu.vector_store %arg10[%swap3A_173, %swap3A_174], %get3A_136 {strides = array<i32>} : memref<128x64xf32, #tpu.memory_space<vmem>>, vector<16xf32>,
    }
    %scan3A_58 = arith.constant 64 : i32
    %mul3A_59 = arith.constant 25600 : i32
    %mul3A_60 = arith.muli %add3A, %mul3A_59 : i32
    %add3A_61 = arith.constant 25472 : i32
    %add3A_62 = arith.addi %mul3A_60, %add3A_61 : i32
    %multiple_of3A_63 = tpu.assume_multiple %add3A_62, 8 : i32
    %dma_start3A_64 = arith.constant 0 : i32
    %dma_start3A_65 = tpu.memref_slice %arg4[%multiple_of3A_63, %dma_start3A_64] : memref<819200x64xf32, #tpu.memory_space<hbm>> -> memref<128x64xf32, #tpu.memory_space<hbm>>
    %dma_start3A_66 = arith.constant 0 : i32
    %dma_start3A_67 = tpu.memref_slice %arg4[%multiple_of3A_63, %dma_start3A_66] : memref<819200x64xf32, #tpu.memory_space<hbm>> -> memref<128x64xf32, #tpu.memory_space<hbm>>
    tpu.enqueue_dma source(%arg10 : memref<128x64xf32, #tpu.memory_space<vmem>>) target(%dma_start3A_67 : memref<128x64xf32, #tpu.memory_space<hbm>>) target_semaphore(%arg16 : memref<!tpu.dma_semaphore, #tpu.memory_space<semaphore_mem>>)
    %mul3A_68 = arith.constant 25600 : i32
    %mul3A_69 = arith.muli %add3A, %mul3A_68 : i32
    %add3A_70 = arith.constant 25216 : i32
    %add3A_71 = arith.addi %mul3A_69, %add3A_70 : i32
    %multiple_of3A_72 = tpu.assume_multiple %add3A_71, 8 : i32
    %dma_wait3A_73 = arith.constant 0 : i32
    %dma_wait3A_74 = tpu.memref_slice %arg4[%multiple_of3A_72, %dma_wait3A_73] : memref<819200x64xf32, #tpu.memory_space<hbm>> -> memref<128x64xf32, #tpu.memory_space<hbm>>
    %dma_wait3A_75 = arith.constant 0 : i32
    %dma_wait3A_76 = tpu.memref_slice %arg4[%multiple_of3A_72, %dma_wait3A_75] : memref<819200x64xf32, #tpu.memory_space<hbm>> -> memref<128x64xf32, #tpu.memory_space<hbm>>
    tpu.wait_dma2 semaphore(%arg17 : memref<!tpu.dma_semaphore, #tpu.memory_space<semaphore_mem>>) src(%arg11 : memref<128x64xf32, #tpu.memory_space<vmem>>) dst(%dma_wait3A_76 : memref<128x64xf32, #tpu.memory_space<hbm>>)
    %mul3A_77 = arith.constant 25600 : i32
    %mul3A_78 = arith.muli %add3A, %mul3A_77 : i32
    %add3A_79 = arith.constant 25344 : i32
    %add3A_80 = arith.addi %mul3A_78, %add3A_79 : i32
    %multiple_of3A_81 = tpu.assume_multiple %add3A_80, 8 : i32
    %dma_wait3A_82 = arith.constant 0 : i32
    %dma_wait3A_83 = tpu.memref_slice %arg4[%multiple_of3A_81, %dma_wait3A_82] : memref<819200x64xf32, #tpu.memory_space<hbm>> -> memref<128x64xf32, #tpu.memory_space<hbm>>
    %dma_wait3A_84 = arith.constant 0 : i32
    %dma_wait3A_85 = tpu.memref_slice %arg4[%multiple_of3A_81, %dma_wait3A_84] : memref<819200x64xf32, #tpu.memory_space<hbm>> -> memref<128x64xf32, #tpu.memory_space<hbm>>
    tpu.wait_dma2 semaphore(%arg15 : memref<!tpu.dma_semaphore, #tpu.memory_space<semaphore_mem>>) src(%arg9 : memref<128x64xf32, #tpu.memory_space<vmem>>) dst(%dma_wait3A_85 : memref<128x64xf32, #tpu.memory_space<hbm>>)
    %mul3A_86 = arith.constant 25600 : i32
    %mul3A_87 = arith.muli %add3A, %mul3A_86 : i32
    %add3A_88 = arith.constant 25472 : i32
    %add3A_89 = arith.addi %mul3A_87, %add3A_88 : i32
    %multiple_of3A_90 = tpu.assume_multiple %add3A_89, 8 : i32
    %dma_wait3A_91 = arith.constant 0 : i32
    %dma_wait3A_92 = tpu.memref_slice %arg4[%multiple_of3A_90, %dma_wait3A_91] : memref<819200x64xf32, #tpu.memory_space<hbm>> -> memref<128x64xf32, #tpu.memory_space<hbm>>
    %dma_wait3A_93 = arith.constant 0 : i32
    %dma_wait3A_94 = tpu.memref_slice %arg4[%multiple_of3A_90, %dma_wait3A_93] : memref<819200x64xf32, #tpu.memory_space<hbm>> -> memref<128x64xf32, #tpu.memory_space<hbm>>
    tpu.wait_dma2 semaphore(%arg16 : memref<!tpu.dma_semaphore, #tpu.memory_space<semaphore_mem>>) src(%arg10 : memref<128x64xf32, #tpu.memory_space<vmem>>) dst(%dma_wait3A_94 : memref<128x64xf32, #tpu.memory_space<hbm>>)
    return
  }
}

</mosaic_0001>

<sc_bundles>
// kernel: kernel.3.cloned.1.call-start
scs
__scs_entry_jumppad:
0x0: {  	(pc) =	sbr.rel $0x88, $3  }
0x1: {  	(tag) =	ssettag $0x0;
	lr =	simm.s32 $0x1  }
0x2: {  	[smem:$0x3F9F] =	sst lr;
	_ =	strace $0xD0000000  }
0x3: {  	_ = 	snop  }
0x4: {  	_ = 	snop  }
0x5: {  	_ = 	snop  }
0x6: {  	_ = 	snop  }
0x7: {  	_ = 	snop  }
__scs_overlays_trampoline_lowered:
0x8: {  	[smem:$0x3FAE] =	sst s0  }
0x9: {  	[smem:$0x3FAF] =	sst s1  }
0xa: {  	[smem:$0x3FB0] =	sst s2  }
0xb: {  	[smem:$0x3FB1] =	sst s3  }
0xc: {  	[smem:$0x3FB2] =	sst s4  }
0xd: {  	[smem:$0x3FB3] =	sst s5  }
0xe: {  	[smem:$0x3FB4] =	sst s6  }
0xf: {  	[smem:$0x3FB5] =	sst s7  }
0x10: {  	[smem:$0x3FB6] =	sst s8  }
0x11: {  	[smem:$0x3FB7] =	sst s9;
	s0 =	simm.s32 @!p0 $0x0  }
0x12: {  	s1 =	sld [smem:$0x3F9D];
	s0 =	simm.s32 @p0 $0x1  }
0x13: {  	[smem:$0x3FB8] =	sst s0;
	s0 =	simm.s32 @!p1 $0x0  }
0x14: {  	s2 =	sld [smem:$0x3F9C];
	s0 =	simm.s32 @p1 $0x1  }
0x15: {  	[smem:$0x3FB9] =	sst s0;
	s0 =	simm.s32 @!p2 $0x0  }
0x16: {  	s3 =	sld [smem:$0x3FDB];
	s0 =	simm.s32 @p2 $0x1  }
0x17: {  	s4 =	simm.s32 $0x1BF5;
	[smem:$0x3FBB] =	sst s0  }
0x18: {  	s0 =	sld [smem:$0x3F9E];
	_ =	swait.ge [sflag:s4], $0x0  }
0x19: {  	s7 =	sld [smem:$0x3F9F]  }
0x1a: {  	s8 =	sadd.s32 $0xFFFFE003, lr  }
0x1b: {  	s9 =	sadd.s32 $0xFFFFFEF7, lr;
	s5 =	simm.s32 $0xFFFFFFFF;
	p2 =	slt.u32 s8, $0xFFFFF086  }
0x1c: {  	p1 =	slt.u32 s9, $0xF7A;
	s5 =	simm.s32 @!p2 $0x0  }
0x1d: {  	s5 =	simm.s32 @p1 $0x1;
	p0 =	seq.s32 s7, s2  }
0x1e: {  	s7 =	smul.u32 @!p0 $0xF7A, s2;
	p2 =	seq.s32 @!p0 s5, $0x0  }
0x1f: {  	s9 =	smul.u32 $0xF7A, s1;
	s8 =	simm.s32 @!p0 $0x1BF5;
	p2 =	por !p2, p0  }
0x20: {  	[sflag:s8] =	ssyncset.s32 @!p0 $0xFFFFF086;
	s6 =	sadd.s32 @!p0 s3, s7;
	s7 =	simm.s32 @!p0 $0x108  }
0x21: {  	s3 =	sadd.s32 s3, s9;
	s6 =	sadd.s32 @!p0 $0x88, s6;
	s7 =	simm.s32 @p2 $0x1082  }
0x22: {  	[simem:s7], [sflag:s8] =	dma.local @!p0 [hbm:s6], $0xF7A  }
0x23: {  	s9 =	sor.u32 $0xD0000000, s2;
	s6 =	simm.s32 $0x108;
	_ =	swait.ge @!p0 [sflag:s8], $0x0  }
0x24: {  	s3 =	sadd.s32 $0x88, s3;
	s6 =	simm.s32 @!p1 $0x1082;
	[sflag:s4] =	ssyncset.s32 $0xFFFFF086  }
0x25: {  	[simem:s6], [sflag:s4] =	dma.local [hbm:s3], $0xF7A  }
0x26: {  	[smem:$0x3F9F] =	sst s1;
	(tag) =	ssettag s2;
	_ =	strace s9  }
0x27: {  	s1 =	sld [smem:$0x3FAF]  }
0x28: {  	s2 =	sld [smem:$0x3FB0]  }
0x29: {  	s4 =	sld [smem:$0x3FB2]  }
0x2a: {  	p0 =	seq.s32 s5, $0x0;
	s5 =	sld [smem:$0x3FB3]  }
0x2b: {  	s6 =	sld [smem:$0x3FB4]  }
0x2c: {  	s7 =	sld [smem:$0x3FB5]  }
0x2d: {  	s3 =	simm.s32 $0x108;
	s8 =	sld [smem:$0x3FB6]  }
0x2e: {  	s3 =	simm.s32 @!p0 $0x1082;
	s9 =	sld [smem:$0x3FB7]  }
0x2f: {  	lr =	sadd.s32 s0, s3;
	s0 =	sld [smem:$0x3FAE]  }
0x30: {  	s3 =	sld [smem:$0x3FB1]  }
0x31: {  	[smem:$0x3FBA] =	sst s10  }
0x32: {  	s10 =	sld [smem:$0x3FB8];
	_ =	sdelay $0x3  }
0x33: {  	p0 =	seq.s32 s10, $0x1;
	s10 =	sld [smem:$0x3FBA];
	_ =	sdelay $0x3  }
0x34: {  	[smem:$0x3FBA] =	sst s10  }
0x35: {  	s10 =	sld [smem:$0x3FB9];
	_ =	sdelay $0x3  }
0x36: {  	p1 =	seq.s32 s10, $0x1;
	s10 =	sld [smem:$0x3FBA];
	_ =	sdelay $0x3  }
0x37: {  	[smem:$0x3FBA] =	sst s10  }
0x38: {  	s10 =	sld [smem:$0x3FBB]  }
0x39: {  	_ = 	snop;
	(pc) =	sbr.ind lr, $3  }
0x3a: {  	_ = 	snop  }
0x3b: {  	_ = 	snop  }
0x3c: {  	p2 =	seq.s32 s10, $0x1;
	s10 =	sld [smem:$0x3FBA]  }
0x3d: {  	_ =	shalt  }
0x3e: {  	_ =	shalt  }
0x3f: {  	_ =	shalt  }
0x40: {  	_ =	shalt  }
0x41: {  	_ =	shalt  }
0x42: {  	_ =	shalt  }
0x43: {  	_ =	shalt  }
0x44: {  	_ =	shalt  }
0x45: {  	_ =	shalt  }
0x46: {  	_ =	shalt  }
0x47: {  	_ =	shalt  }
0x48: {  	_ =	shalt  }
0x49: {  	_ =	shalt  }
0x4a: {  	_ =	shalt  }
0x4b: {  	_ =	shalt  }
0x4c: {  	_ =	shalt  }
0x4d: {  	_ =	shalt  }
0x4e: {  	_ =	shalt  }
0x4f: {  	_ =	shalt  }
0x50: {  	_ =	shalt  }
0x51: {  	_ =	shalt  }
0x52: {  	_ =	shalt  }
0x53: {  	_ =	shalt  }
0x54: {  	_ =	shalt  }
0x55: {  	_ =	shalt  }
0x56: {  	_ =	shalt  }
0x57: {  	_ =	shalt  }
0x58: {  	_ =	shalt  }
0x59: {  	_ =	shalt  }
0x5a: {  	_ =	shalt  }
0x5b: {  	_ =	shalt  }
0x5c: {  	_ =	shalt  }
0x5d: {  	_ =	shalt  }
0x5e: {  	_ =	shalt  }
0x5f: {  	_ =	shalt  }
0x60: {  	_ =	shalt  }
0x61: {  	_ =	shalt  }
0x62: {  	_ =	shalt  }
0x63: {  	_ =	shalt  }
0x64: {  	_ =	shalt  }
0x65: {  	_ =	shalt  }
0x66: {  	_ =	shalt  }
0x67: {  	_ =	shalt  }
0x68: {  	_ =	shalt  }
0x69: {  	_ =	shalt  }
0x6a: {  	_ =	shalt  }
0x6b: {  	_ =	shalt  }
0x6c: {  	_ =	shalt  }
0x6d: {  	_ =	shalt  }
0x6e: {  	_ =	shalt  }
0x6f: {  	_ =	shalt  }
0x70: {  	_ =	shalt  }
0x71: {  	_ =	shalt  }
0x72: {  	_ =	shalt  }
0x73: {  	_ =	shalt  }
0x74: {  	_ =	shalt  }
0x75: {  	_ =	shalt  }
0x76: {  	_ =	shalt  }
0x77: {  	_ =	shalt  }
0x78: {  	_ =	shalt  }
0x79: {  	_ =	shalt  }
0x7a: {  	_ =	shalt  }
0x7b: {  	_ =	shalt  }
0x7c: {  	_ =	shalt  }
0x7d: {  	_ =	shalt  }
0x7e: {  	_ =	shalt  }
0x7f: {  	_ =	shalt  }
0x80: {  	_ =	shalt  }
0x81: {  	_ =	shalt  }
0x82: {  	_ =	shalt  }
0x83: {  	_ =	shalt  }
0x84: {  	_ =	shalt  }
0x85: {  	_ =	shalt  }
0x86: {  	_ =	shalt  }
0x87: {  	_ =	shalt  }
.Lfunc_end0:
.L_simem_size_0:
called_computation.1_lowered:
.L_overlay_start_0:
0x88: {  	s2 =	sld [smem:$0x3FD9]  }
0x89: {  	s3 =	sld [smem:$0x3FFE];
	_ =	sdelay $0x1  }
0x8a: {  	s1 =	srdreg.scid  }
0x8b: {  	s0 =	sand.u32 $0x1, s1  }
0x8c: {  	s17 =	sshll.u32 s0, $0xA;
	s2 =	sadd.s32 s3, s2  }
0x8d: {  	s2 =	sadd.s32 s2, s17  }
0x8e: {  	[smem:$0x3FC6] =	sst s2  }
0x8f: {  	_ = 	snop  }
0x90: {  	s2 =	sld [smem:$0x3FD0];
	(tm) =	ssettm $0x1  }
0x91: {  	s18 =	sld [smem:$0x3FFB];
	_ =	sdelay $0x3  }
0x92: {  	_ =	strace s18  }
0x93: {  	s3 =	sld [smem:$0x3FFC];
	_ =	sdelay $0x3  }
0x94: {  	_ =	strace s3  }
0x95: {  	s3 =	sld [smem:$0x3FFD];
	_ =	sdelay $0x3  }
0x96: {  	_ =	strace s3  }
0x97: {  	_ =	strace $0x8FFFFFFF  }
0x98: {  	s19 =	sld [smem:$0x3FDB];
	_ =	sdelay $0x1  }
0x99: {  	s4 =	simm.s32 $_scs_section_size  }
0x9a: {  	s5 =	simm.s32 $_size__tile_overlayer_lowered;
	s6 =	simm.s32 $_tile_overlayer_lowered  }
0x9b: {  	s22 =	simm.s32 $0x1BFF;
	s21 =	sshll.u32 s6, $0x1;
	s3 =	sadd.s32 s4, s19  }
0x9c: {  	s7 =	simm.s32 $0x0;
	s20 =	sshll.u32 s5, $0x1;
	s5 =	sadd.s32 s21, s3  }
0x9d: {  	[timem:s7], [sflag:s22] =	dma.local [hbm:s5], s20  }
0x9e: {  	_ =	swait.ge [sflag:s22], s20  }
0x9f: {  	s4 =	ssub.s32 $0x0, s20;
	[sflag:s22] =	ssyncset.done $0x0  }
0xa0: {  	[sflag:s22] =	ssyncadd.s32 s4;
	_ =	sdelay $0x1  }
0xa1: {  	s23 =	simm.s32 $0x1B8B  }
0xa2: {  	_ =	swait.ge [sflag:s23], $0x1  }
0xa3: {  	[sflag:s23] =	ssyncset.done $0x0  }
0xa4: {  	s25 =	simm.s32 $0x1B8E;
	s24 =	sld [smem:$0x3FFE];
	[sflag:s23] =	ssyncadd.s32 $0xFFFFFFFF  }
0xa5: {  	s26 =	simm.s32 $execute0_lowered;
	[smem:$0x3FD2] =	sst s25  }
0xa6: {  	s5 =	sshll.u32 s26, $0x1;
	_ =	strace $0x80000046;
	[dreg:$0x1] =	wrdreg $0xFFFFFFFF  }
0xa7: {  	s28 =	simm.s32 $_size_execute0_lowered;
	s3 =	sadd.s32 s3, s5;
	[dreg:$0x0] =	wrdreg $0x0  }
0xa8: {  	s5 =	sshll.u32 s28, $0x1;
	[dreg:$0x2] =	wrdreg s3  }
0xa9: {  	[dreg:$0x3] =	wrdreg s5  }
0xaa: {  	[dreg:$0x4] =	wrdreg $0xC0  }
0xab: {  	_ =	task [dreg:s7], $0x5FFFF  }
0xac: {  	[dreg:$0x1] =	wrdreg $0xFFFFFFFF  }
0xad: {  	[dreg:$0x0] =	wrdreg $0x60  }
0xae: {  	[dreg:$0x2] =	wrdreg s2  }
0xaf: {  	[dreg:$0x3] =	wrdreg s24  }
0xb0: {  	[dreg:$0x4] =	wrdreg $0x9  }
0xb1: {  	_ =	task.clear_ibuf [dreg:s7], $0x5FFFF;
	_ =	strace $0x90000046  }
0xb2: {  	s29 =	simm.s32 $0x9;
	_ =	strace $0x80000048  }
0xb3: {  	_ =	swait.ge [sflag:s29], $0x1  }
0xb4: {  	[sflag:s29] =	ssyncadd.s32 $0xFFFFFFFF  }
0xb5: {  	_ =	strace $0x90000048  }
0xb6: {  	_ =	sfence  }
0xb7: {  	s30 =	sld [smem:$0x0];
	_ =	sdelay $0x2  }
0xb8: {  	s31 =	sshll.u32 s1, $0xD;
	s1 =	sshrl.u32 s1, $0x2  }
0xb9: {  	s3 =	sand.u32 $0x4000, s31;
	s1 =	sadd.s32 s1, s30  }
0xba: {  	s0 =	sor.u32 s3, s0;
	s1 =	sshll.u32 s1, $0x11  }
0xbb: {  	s0 =	sor.u32 s1, s0  }
0xbc: {  	s0 =	sadd.s32 $0x8F2B, s0  }
0xbd: {  	[sflag:s0] =	ssyncadd.remote.s32 $0x1  }
0xbe: {  	_ =	sfence.sel $0xFFFF  }
0xbf: {  	[dreg:$0x0] =	wrdreg $0xFFFFFFFF;
	(pc) =	sbr.abs _section_cstart, $3  }
0xc0: {  	[dreg:$0x1] =	wrdreg $0xFFFFFFFF  }
0xc1: {  	_ =	task.clear_ibuf [dreg:s7], $0x2FFFF;
	_ =	strace $0x9FFFFFFF  }
0xc2: {  	(tm) =	ssettm $0x7FFFFFFF  }
0xc3: {  	_ =	shalt  }
tec
execute0_lowered:
.L_overlay_start_1:
0x0: {  	(tag) =	ssettag $0x1  }
0x1: {  	s0 =	rddreg [dreg:$0x0]  }
0x2: {  	s1 =	rddreg [dreg:$0x1]  }
0x3: {  	s3 =	srdreg.scid;
	s4 =	stileid.u32  }
0x4: {  	s2 =	simm.s32 $0x0;
	s12 =	simm.s32 $0x7;
	s13 =	simm.s32 $0x80  }
0x5: {  	s14 =	simm.s32 $0x6400;
	s15 =	simm.s32 $0xA400;
	s17 =	simm.s32 $0xE400  }
0x6: {  	s18 =	simm.s32 $0x1;
	s19 =	simm.s32 $0x12400;
	s20 =	simm.s32 $0x2  }
0x7: {  	s21 =	simm.s32 $0x16400;
	s22 =	simm.s32 $0x4;
	s23 =	simm.s32 $0x3  }
0x8: {  	s24 =	simm.s32 $0x1A400;
	s5 =	sand.u32 $0x1, s3;
	s29 =	sshll.u32 s4, $0x1  }
0x9: {  	s25 =	simm.s32 $0x5;
	s26 =	simm.s32 $0x6;
	s6 =	sor.u32 s5, s29  }
0xa: {  	s28 =	simm.s32 $0x0;
	[smem:$0x7FF] =	sst s2;
	s3 =	smul.u32 $0x320000, s6  }
0xb: {  	s4 =	sadd.s32 $0xF42E00, s1;
	s7 =	ssub.s32 $0x2, s5;
	s5 =	smul.u32 $0x6400, s6  }
0xc: {  	_ =	strace $0x80000047;
	s6 =	sadd.s32 $0xA00, s1;
	s30 =	sshrl.u32 s7, $0x1  }
0xd: {  	s1 =	ssub.s32 s7, s30;
	s8 =	sshrl.u32 s3, $0x3;
	s31 =	sshrl.u32 s5, $0x3  }
0xe: {  	s11 =	smax.u32 s1, $0x1;
	s10 =	sadd.s32 s6, s8;
	s7 =	sadd.s32 s0, s31  }
0xf: {  	s8 =	sor.u32 $0x80, s5;
	s9 =	sadd.s32 $0x63000, s10;
	s10 =	sadd.s32 $0x63800, s10  }
.LBB2_1:
0x10: {  	[tilespmem:s2], [sflag:$0x7] =	stream.linear.gather [hbm4b:s7+s2], $0x6400, $0x38;
	[tilespmem:$0x1E400] =	vst v63  }
0x11: {  	_ =	swait.ge [sflag:s12], $0x6400  }
0x12: {  	[sflag:s12] =	ssyncset.done $0x0  }
0x13: {  	[sflag:s12] =	ssyncadd.s32 $0xFFFF9C00  }
0x14: {  	[tilespmem:s14], [sflag:$0x1] =	stream.indirect.gather [hbm4b:s4+s13], $0x80, s2, s13, $0xb8;
	[tilespmem:$0x1E400] =	vst v63  }
0x15: {  	_ = 	snop  }
0x16: {  	[tilespmem:s15], [sflag:$0x2] =	stream.indirect.gather [hbm4b:s4+s13], $0x80, s13, s13, $0xb8;
	[tilespmem:$0x1E400] =	vst v63  }
0x17: {  	s0 =	simm.s32 $0x100;
	s29 =	simm.s32 $0x0  }
0x18: {  	[tilespmem:s17], [sflag:$0x3] =	stream.indirect.gather [hbm4b:s4+s13], $0x80, s0, s13, $0xb8;
	[tilespmem:$0x1E400] =	vst v63  }
.LBB2_2:
0x19: {  	_ =	swait.ge [sflag:s18], $0x4000  }
0x1a: {  	[sflag:s18] =	ssyncset.done $0x0  }
0x1b: {  	s30 =	simm.s32 $0x0;
	[sflag:s18] =	ssyncadd.s32 $0xFFFFC000  }
0x1c: {  	v2 =	vld [tilespmem:s30+$0x64B0]  }
0x1d: {  	v4 =	vld [tilespmem:s30+$0x6400]  }
0x1e: {  	v5 =	vld [tilespmem:s30+$0x6410]  }
0x1f: {  	v3 =	vld [tilespmem:s30+$0x6420]  }
0x20: {  	v0 =	vld [tilespmem:s30+$0x6430]  }
0x21: {  	v1 =	vld [tilespmem:s30+$0x6480];
	[tilespmem:s30+$0x124B0] =	vst v2  }
0x22: {  	v2 =	vld [tilespmem:s30+$0x6490];
	[tilespmem:s30+$0x12400] =	vst v4  }
0x23: {  	s0 =	simm.s32 $0x100;
	s1 =	simm.s32 $0x800;
	v4 =	vld [tilespmem:s30+$0x64A0];
	[tilespmem:s30+$0x12410] =	vst v5  }
.LBB2_3:
0x24: {  	p0 =	sne.s32 s1, $0xFC00;
	v5 =	vld [tilespmem:s0+$0x64B0];
	[tilespmem:s30+$0x12420] =	vst v3  }
0x25: {  	v6 =	vld [tilespmem:s0+$0x6400];
	[tilespmem:s30+$0x12430] =	vst v0  }
0x26: {  	v7 =	vld [tilespmem:s0+$0x6410];
	[tilespmem:s30+$0x12480] =	vst v1  }
.Ltmp0:
0x27: {  	v3 =	vld [tilespmem:s0+$0x6420];
	[tilespmem:s30+$0x12490] =	vst v2;
	(pc) =	sbr.rel @p0 .LBB2_3-.Ltmp0, $4  }
0x28: {  	v0 =	vld [tilespmem:s0+$0x6430];
	[tilespmem:s30+$0x124A0] =	vst v4;
	s30 =	smov.u32 s0  }
0x29: {  	v1 =	vld [tilespmem:s30+$0x6480];
	[tilespmem:s30+$0x124B0] =	vst v5  }
0x2a: {  	v2 =	vld [tilespmem:s30+$0x6490];
	[tilespmem:s30+$0x12400] =	vst v6  }
0x2b: {  	s0 =	sshra.s32 s1, $0x2;
	s1 =	sadd.s32 $0x400, s1;
	v4 =	vld [tilespmem:s30+$0x64A0];
	[tilespmem:s30+$0x12410] =	vst v7  }
0x2c: {  	v5 =	vld [tilespmem:s0+$0x64B0];
	[tilespmem:s30+$0x12420] =	vst v3  }
0x2d: {  	v3 =	vld [tilespmem:s0+$0x6400];
	[tilespmem:s30+$0x12430] =	vst v0  }
0x2e: {  	v0 =	vld [tilespmem:s0+$0x6410];
	[tilespmem:s30+$0x12480] =	vst v1  }
0x2f: {  	v1 =	vld [tilespmem:s0+$0x6420];
	[tilespmem:s30+$0x12490] =	vst v2  }
0x30: {  	v2 =	vld [tilespmem:s0+$0x6430];
	[tilespmem:s30+$0x124A0] =	vst v4  }
0x31: {  	v4 =	vld [tilespmem:s0+$0x6480];
	[tilespmem:s0+$0x124B0] =	vst v5  }
0x32: {  	v5 =	vld [tilespmem:s0+$0x6490];
	[tilespmem:s0+$0x12400] =	vst v3  }
0x33: {  	v3 =	vld [tilespmem:s0+$0x64A0];
	[tilespmem:s0+$0x12410] =	vst v0  }
0x34: {  	s31 =	smul.u32 $0x180, s29;
	[tilespmem:s0+$0x12420] =	vst v1  }
0x35: {  	[tilespmem:s0+$0x12430] =	vst v2  }
0x36: {  	s1 =	sadd.s32 s5, s31;
	[tilespmem:s0+$0x12480] =	vst v4  }
0x37: {  	s1 =	sshll.u32 s1, $0x4;
	[tilespmem:s0+$0x12490] =	vst v5  }
0x38: {  	s1 =	sadd.s32 s6, s1;
	[tilespmem:s0+$0x124A0] =	vst v3;
	s0 =	smul.u32 $0x3, s29  }
0x39: {  	[hbm4b:s1+s2] =	stream.linear.scatter [tilespmem:s19], [sflag:$0x4], $0x4000, $0x38;
	[tilespmem:$0x1E400] =	vst v63  }
0x3a: {  	s16 =	sadd.s32 $0xFFFFFFFF, s0  }
0x3b: {  	p0 =	sgt.u32 s16, $0xC4  }
0x3c: {  	s1 =	simm.s32 @!p0 $0x6  }
0x3d: {  	s30 =	sadd.s32 $0x2, s0;
	_ =	swait.ge @!p0 [sflag:s1], $0x4000  }
0x3e: {  	s0 =	sshll.u32 @!p0 s30, $0x7;
	s16 =	simm.s32 @!p0 $0xE400;
	[sflag:s1] =	ssyncset.done @!p0 $0x0  }
0x3f: {  	s0 =	sand.u32 @!p0 $0x3FFFFF80, s0;
	[sflag:s1] =	ssyncadd.s32 @!p0 $0xFFFFC000;
	s1 =	simm.s32 @!p0 $0x80  }
0x40: {  	[tilespmem:s16], [sflag:$0x3] =	stream.indirect.gather @!p0 [hbm4b:s4+s1], $0x80, s0, s1, $0xb8;
	[tilespmem:$0x1E400] =	vst v63  }
0x41: {  	_ =	swait.ge [sflag:s20], $0x4000  }
0x42: {  	[sflag:s20] =	ssyncset.done $0x0  }
0x43: {  	s0 =	simm.s32 $0x0;
	[sflag:s20] =	ssyncadd.s32 $0xFFFFC000  }
0x44: {  	v2 =	vld [tilespmem:s0+$0xA4B0]  }
0x45: {  	v4 =	vld [tilespmem:s0+$0xA400]  }
0x46: {  	v5 =	vld [tilespmem:s0+$0xA410]  }
0x47: {  	v3 =	vld [tilespmem:s0+$0xA420]  }
0x48: {  	v0 =	vld [tilespmem:s0+$0xA430]  }
0x49: {  	v1 =	vld [tilespmem:s0+$0xA480];
	[tilespmem:s0+$0x164B0] =	vst v2  }
0x4a: {  	v2 =	vld [tilespmem:s0+$0xA490];
	[tilespmem:s0+$0x16400] =	vst v4  }
0x4b: {  	s1 =	simm.s32 $0x100;
	s16 =	simm.s32 $0x800;
	v4 =	vld [tilespmem:s0+$0xA4A0];
	[tilespmem:s0+$0x16410] =	vst v5  }
.LBB2_5:
0x4c: {  	p0 =	sne.s32 s16, $0xFC00;
	v5 =	vld [tilespmem:s1+$0xA4B0];
	[tilespmem:s0+$0x16420] =	vst v3  }
0x4d: {  	v6 =	vld [tilespmem:s1+$0xA400];
	[tilespmem:s0+$0x16430] =	vst v0  }
0x4e: {  	v7 =	vld [tilespmem:s1+$0xA410];
	[tilespmem:s0+$0x16480] =	vst v1  }
.Ltmp1:
0x4f: {  	v3 =	vld [tilespmem:s1+$0xA420];
	[tilespmem:s0+$0x16490] =	vst v2;
	(pc) =	sbr.rel @p0 .LBB2_5-.Ltmp1, $4  }
0x50: {  	v0 =	vld [tilespmem:s1+$0xA430];
	[tilespmem:s0+$0x164A0] =	vst v4;
	s0 =	smov.u32 s1  }
0x51: {  	v1 =	vld [tilespmem:s0+$0xA480];
	[tilespmem:s0+$0x164B0] =	vst v5  }
0x52: {  	v2 =	vld [tilespmem:s0+$0xA490];
	[tilespmem:s0+$0x16400] =	vst v6  }
0x53: {  	s1 =	sshra.s32 s16, $0x2;
	s16 =	sadd.s32 $0x400, s16;
	v4 =	vld [tilespmem:s0+$0xA4A0];
	[tilespmem:s0+$0x16410] =	vst v7  }
0x54: {  	v5 =	vld [tilespmem:s1+$0xA4B0];
	[tilespmem:s0+$0x16420] =	vst v3  }
0x55: {  	v3 =	vld [tilespmem:s1+$0xA400];
	[tilespmem:s0+$0x16430] =	vst v0  }
0x56: {  	v0 =	vld [tilespmem:s1+$0xA410];
	[tilespmem:s0+$0x16480] =	vst v1  }
0x57: {  	v1 =	vld [tilespmem:s1+$0xA420];
	[tilespmem:s0+$0x16490] =	vst v2  }
0x58: {  	v2 =	vld [tilespmem:s1+$0xA430];
	[tilespmem:s0+$0x164A0] =	vst v4  }
0x59: {  	v4 =	vld [tilespmem:s1+$0xA480];
	[tilespmem:s1+$0x164B0] =	vst v5  }
0x5a: {  	v5 =	vld [tilespmem:s1+$0xA490];
	[tilespmem:s1+$0x16400] =	vst v3  }
0x5b: {  	v3 =	vld [tilespmem:s1+$0xA4A0];
	[tilespmem:s1+$0x16410] =	vst v0  }
0x5c: {  	[tilespmem:s1+$0x16420] =	vst v1  }
0x5d: {  	[tilespmem:s1+$0x16430] =	vst v2  }
0x5e: {  	s16 =	sadd.s32 s31, s8;
	[tilespmem:s1+$0x16480] =	vst v4  }
0x5f: {  	s0 =	sshll.u32 s16, $0x4;
	[tilespmem:s1+$0x16490] =	vst v5  }
0x60: {  	s16 =	simm.s32 $0x0;
	s0 =	sadd.s32 s6, s0;
	[tilespmem:s1+$0x164A0] =	vst v3  }
0x61: {  	[hbm4b:s0+s16] =	stream.linear.scatter [tilespmem:s21], [sflag:$0x5], $0x4000, $0x38;
	[tilespmem:$0x1E400] =	vst v63  }
0x62: {  	s16 =	smul.u32 $0x600, s29  }
0x63: {  	_ =	swait.ge [sflag:s22], $0x4000  }
0x64: {  	[sflag:s22] =	ssyncset.done $0x0;
	s31 =	sshra.s32 s16, $0x2  }
0x65: {  	[sflag:s22] =	ssyncadd.s32 $0xFFFFC000;
	s0 =	sadd.s32 $0x180, s31  }
0x66: {  	[tilespmem:s14], [sflag:$0x1] =	stream.indirect.gather [hbm4b:s4+s13], $0x80, s0, s13, $0xb8;
	[tilespmem:$0x1E400] =	vst v63  }
0x67: {  	_ =	swait.ge [sflag:s23], $0x4000  }
0x68: {  	[sflag:s23] =	ssyncset.done $0x0  }
0x69: {  	s0 =	simm.s32 $0x0;
	[sflag:s23] =	ssyncadd.s32 $0xFFFFC000  }
0x6a: {  	v2 =	vld [tilespmem:s0+$0xE4B0]  }
0x6b: {  	v4 =	vld [tilespmem:s0+$0xE400]  }
0x6c: {  	v5 =	vld [tilespmem:s0+$0xE410]  }
0x6d: {  	v3 =	vld [tilespmem:s0+$0xE420]  }
0x6e: {  	v0 =	vld [tilespmem:s0+$0xE430]  }
0x6f: {  	v1 =	vld [tilespmem:s0+$0xE480];
	[tilespmem:s0+$0x1A4B0] =	vst v2  }
0x70: {  	v2 =	vld [tilespmem:s0+$0xE490];
	[tilespmem:s0+$0x1A400] =	vst v4  }
0x71: {  	s1 =	simm.s32 $0x100;
	s16 =	simm.s32 $0x800;
	v4 =	vld [tilespmem:s0+$0xE4A0];
	[tilespmem:s0+$0x1A410] =	vst v5  }
.LBB2_7:
0x72: {  	p0 =	sne.s32 s16, $0xFC00;
	v5 =	vld [tilespmem:s1+$0xE4B0];
	[tilespmem:s0+$0x1A420] =	vst v3  }
0x73: {  	v6 =	vld [tilespmem:s1+$0xE400];
	[tilespmem:s0+$0x1A430] =	vst v0  }
0x74: {  	v7 =	vld [tilespmem:s1+$0xE410];
	[tilespmem:s0+$0x1A480] =	vst v1  }
.Ltmp2:
0x75: {  	v3 =	vld [tilespmem:s1+$0xE420];
	[tilespmem:s0+$0x1A490] =	vst v2;
	(pc) =	sbr.rel @p0 .LBB2_7-.Ltmp2, $4  }
0x76: {  	v0 =	vld [tilespmem:s1+$0xE430];
	[tilespmem:s0+$0x1A4A0] =	vst v4;
	s0 =	smov.u32 s1  }
0x77: {  	v1 =	vld [tilespmem:s0+$0xE480];
	[tilespmem:s0+$0x1A4B0] =	vst v5  }
0x78: {  	v2 =	vld [tilespmem:s0+$0xE490];
	[tilespmem:s0+$0x1A400] =	vst v6  }
0x79: {  	s1 =	sshra.s32 s16, $0x2;
	s16 =	sadd.s32 $0x400, s16;
	v4 =	vld [tilespmem:s0+$0xE4A0];
	[tilespmem:s0+$0x1A410] =	vst v7  }
0x7a: {  	v5 =	vld [tilespmem:s1+$0xE4B0];
	[tilespmem:s0+$0x1A420] =	vst v3  }
0x7b: {  	v3 =	vld [tilespmem:s1+$0xE400];
	[tilespmem:s0+$0x1A430] =	vst v0  }
0x7c: {  	v0 =	vld [tilespmem:s1+$0xE410];
	[tilespmem:s0+$0x1A480] =	vst v1  }
0x7d: {  	v1 =	vld [tilespmem:s1+$0xE420];
	[tilespmem:s0+$0x1A490] =	vst v2  }
0x7e: {  	v2 =	vld [tilespmem:s1+$0xE430];
	[tilespmem:s0+$0x1A4A0] =	vst v4  }
0x7f: {  	v4 =	vld [tilespmem:s1+$0xE480];
	[tilespmem:s1+$0x1A4B0] =	vst v5  }
0x80: {  	v62 =	vld [tilespmem:s1+$0xE490];
	[tilespmem:s1+$0x1A400] =	vst v3  }
0x81: {  	v63 =	vld [tilespmem:s1+$0xE4A0];
	[tilespmem:s1+$0x1A410] =	vst v0  }
0x82: {  	[tilespmem:s1+$0x1A420] =	vst v1  }
0x83: {  	s30 =	sshll.u32 s30, $0xE;
	[tilespmem:s1+$0x1A430] =	vst v2  }
0x84: {  	s0 =	sadd.s32 s3, s30;
	[tilespmem:s1+$0x1A480] =	vst v4  }
0x85: {  	s29 =	sadd.s32 $0x1, s29;
	s0 =	sshrl.u32 s0, $0x3;
	[tilespmem:s1+$0x1A490] =	vst v62  }
0x86: {  	p0 =	sne.s32 s29, $0x42;
	s0 =	sadd.s32 s6, s0;
	[tilespmem:s1+$0x1A4A0] =	vst v63  }
0x87: {  	[hbm4b:s0+s2] =	stream.linear.scatter [tilespmem:s24], [sflag:$0x6], $0x4000, $0x38;
	[tilespmem:$0x1E400] =	vst v63  }
.Ltmp3:
0x88: {  	_ = 	snop;
	(pc) =	sbr.rel @p0 .LBB2_2-.Ltmp3, $4  }
0x89: {  	_ =	swait.ge [sflag:s25], $0x4000  }
0x8a: {  	[sflag:s25] =	ssyncset.done $0x0  }
0x8b: {  	s31 =	sadd.s32 $0x200, s31;
	[sflag:s25] =	ssyncadd.s32 $0xFFFFC000  }
0x8c: {  	[tilespmem:s15], [sflag:$0x2] =	stream.indirect.gather [hbm4b:s4+s13], $0x80, s31, s13, $0xb8;
	[tilespmem:$0x1E400] =	vst v63  }
0x8d: {  	_ =	swait.ge [sflag:s18], $0x4000  }
0x8e: {  	[sflag:s18] =	ssyncset.done $0x0  }
0x8f: {  	s0 =	simm.s32 $0x0;
	[sflag:s18] =	ssyncadd.s32 $0xFFFFC000  }
0x90: {  	v2 =	vld [tilespmem:s0+$0x64B0]  }
0x91: {  	v4 =	vld [tilespmem:s0+$0x6400]  }
0x92: {  	v5 =	vld [tilespmem:s0+$0x6410]  }
0x93: {  	v3 =	vld [tilespmem:s0+$0x6420]  }
0x94: {  	v0 =	vld [tilespmem:s0+$0x6430]  }
0x95: {  	v1 =	vld [tilespmem:s0+$0x6480];
	[tilespmem:s0+$0x124B0] =	vst v2  }
0x96: {  	v2 =	vld [tilespmem:s0+$0x6490];
	[tilespmem:s0+$0x12400] =	vst v4  }
0x97: {  	s1 =	simm.s32 $0x100;
	s16 =	simm.s32 $0x800;
	v4 =	vld [tilespmem:s0+$0x64A0];
	[tilespmem:s0+$0x12410] =	vst v5  }
.LBB2_10:
0x98: {  	p0 =	sne.s32 s16, $0xFC00;
	v5 =	vld [tilespmem:s1+$0x64B0];
	[tilespmem:s0+$0x12420] =	vst v3  }
0x99: {  	v6 =	vld [tilespmem:s1+$0x6400];
	[tilespmem:s0+$0x12430] =	vst v0  }
0x9a: {  	v7 =	vld [tilespmem:s1+$0x6410];
	[tilespmem:s0+$0x12480] =	vst v1  }
.Ltmp4:
0x9b: {  	v3 =	vld [tilespmem:s1+$0x6420];
	[tilespmem:s0+$0x12490] =	vst v2;
	(pc) =	sbr.rel @p0 .LBB2_10-.Ltmp4, $4  }
0x9c: {  	v0 =	vld [tilespmem:s1+$0x6430];
	[tilespmem:s0+$0x124A0] =	vst v4;
	s0 =	smov.u32 s1  }
0x9d: {  	v1 =	vld [tilespmem:s0+$0x6480];
	[tilespmem:s0+$0x124B0] =	vst v5  }
0x9e: {  	v2 =	vld [tilespmem:s0+$0x6490];
	[tilespmem:s0+$0x12400] =	vst v6  }
0x9f: {  	s1 =	sshra.s32 s16, $0x2;
	s16 =	sadd.s32 $0x400, s16;
	v4 =	vld [tilespmem:s0+$0x64A0];
	[tilespmem:s0+$0x12410] =	vst v7  }
0xa0: {  	v5 =	vld [tilespmem:s1+$0x64B0];
	[tilespmem:s0+$0x12420] =	vst v3  }
0xa1: {  	v3 =	vld [tilespmem:s1+$0x6400];
	[tilespmem:s0+$0x12430] =	vst v0  }
0xa2: {  	v0 =	vld [tilespmem:s1+$0x6410];
	[tilespmem:s0+$0x12480] =	vst v1  }
0xa3: {  	v1 =	vld [tilespmem:s1+$0x6420];
	[tilespmem:s0+$0x12490] =	vst v2  }
0xa4: {  	v2 =	vld [tilespmem:s1+$0x6430];
	[tilespmem:s0+$0x124A0] =	vst v4  }
0xa5: {  	v4 =	vld [tilespmem:s1+$0x6480];
	[tilespmem:s1+$0x124B0] =	vst v5  }
0xa6: {  	v5 =	vld [tilespmem:s1+$0x6490];
	[tilespmem:s1+$0x12400] =	vst v3  }
0xa7: {  	v3 =	vld [tilespmem:s1+$0x64A0];
	[tilespmem:s1+$0x12410] =	vst v0  }
0xa8: {  	[tilespmem:s1+$0x12420] =	vst v1  }
0xa9: {  	[tilespmem:s1+$0x12430] =	vst v2  }
0xaa: {  	[tilespmem:s1+$0x12480] =	vst v4  }
0xab: {  	[tilespmem:s1+$0x12490] =	vst v5  }
0xac: {  	s31 =	simm.s32 $0x0;
	[tilespmem:s1+$0x124A0] =	vst v3  }
0xad: {  	[hbm4b:s9+s31] =	stream.linear.scatter [tilespmem:s19], [sflag:$0x4], $0x4000, $0x38;
	[tilespmem:$0x1E400] =	vst v63  }
0xae: {  	_ =	swait.ge [sflag:s20], $0x4000  }
0xaf: {  	[sflag:s20] =	ssyncset.done $0x0  }
0xb0: {  	s0 =	simm.s32 $0x0;
	[sflag:s20] =	ssyncadd.s32 $0xFFFFC000  }
0xb1: {  	v2 =	vld [tilespmem:s0+$0xA4B0]  }
0xb2: {  	v4 =	vld [tilespmem:s0+$0xA400]  }
0xb3: {  	v5 =	vld [tilespmem:s0+$0xA410]  }
0xb4: {  	v3 =	vld [tilespmem:s0+$0xA420]  }
0xb5: {  	v0 =	vld [tilespmem:s0+$0xA430]  }
0xb6: {  	v1 =	vld [tilespmem:s0+$0xA480];
	[tilespmem:s0+$0x164B0] =	vst v2  }
0xb7: {  	v2 =	vld [tilespmem:s0+$0xA490];
	[tilespmem:s0+$0x16400] =	vst v4  }
0xb8: {  	s16 =	simm.s32 $0x800;
	s1 =	simm.s32 $0x100;
	v4 =	vld [tilespmem:s0+$0xA4A0];
	[tilespmem:s0+$0x16410] =	vst v5  }
.LBB2_12:
0xb9: {  	p0 =	sne.s32 s16, $0xFC00;
	v5 =	vld [tilespmem:s1+$0xA4B0];
	[tilespmem:s0+$0x16420] =	vst v3  }
0xba: {  	v6 =	vld [tilespmem:s1+$0xA400];
	[tilespmem:s0+$0x16430] =	vst v0  }
0xbb: {  	v7 =	vld [tilespmem:s1+$0xA410];
	[tilespmem:s0+$0x16480] =	vst v1  }
.Ltmp5:
0xbc: {  	v3 =	vld [tilespmem:s1+$0xA420];
	[tilespmem:s0+$0x16490] =	vst v2;
	(pc) =	sbr.rel @p0 .LBB2_12-.Ltmp5, $4  }
0xbd: {  	v0 =	vld [tilespmem:s1+$0xA430];
	[tilespmem:s0+$0x164A0] =	vst v4;
	s0 =	smov.u32 s1  }
0xbe: {  	v1 =	vld [tilespmem:s0+$0xA480];
	[tilespmem:s0+$0x164B0] =	vst v5  }
0xbf: {  	v2 =	vld [tilespmem:s0+$0xA490];
	[tilespmem:s0+$0x16400] =	vst v6  }
0xc0: {  	s1 =	sshra.s32 s16, $0x2;
	s16 =	sadd.s32 $0x400, s16;
	v4 =	vld [tilespmem:s0+$0xA4A0];
	[tilespmem:s0+$0x16410] =	vst v7  }
0xc1: {  	v5 =	vld [tilespmem:s1+$0xA4B0];
	[tilespmem:s0+$0x16420] =	vst v3  }
0xc2: {  	v3 =	vld [tilespmem:s1+$0xA400];
	[tilespmem:s0+$0x16430] =	vst v0  }
0xc3: {  	v0 =	vld [tilespmem:s1+$0xA410];
	[tilespmem:s0+$0x16480] =	vst v1  }
0xc4: {  	v1 =	vld [tilespmem:s1+$0xA420];
	[tilespmem:s0+$0x16490] =	vst v2  }
0xc5: {  	v2 =	vld [tilespmem:s1+$0xA430];
	[tilespmem:s0+$0x164A0] =	vst v4  }
0xc6: {  	v4 =	vld [tilespmem:s1+$0xA480];
	[tilespmem:s1+$0x164B0] =	vst v5  }
0xc7: {  	v62 =	vld [tilespmem:s1+$0xA490];
	[tilespmem:s1+$0x16400] =	vst v3  }
0xc8: {  	v63 =	vld [tilespmem:s1+$0xA4A0];
	[tilespmem:s1+$0x16410] =	vst v0  }
0xc9: {  	[tilespmem:s1+$0x16420] =	vst v1  }
0xca: {  	[tilespmem:s1+$0x16430] =	vst v2  }
0xcb: {  	[tilespmem:s1+$0x16480] =	vst v4  }
0xcc: {  	[tilespmem:s1+$0x16490] =	vst v62  }
0xcd: {  	[tilespmem:s1+$0x164A0] =	vst v63  }
0xce: {  	[hbm4b:s10+s2] =	stream.linear.scatter [tilespmem:s21], [sflag:$0x5], $0x4000, $0x38;
	[tilespmem:$0x1E400] =	vst v63  }
0xcf: {  	_ =	swait.ge [sflag:s26], $0x4000  }
0xd0: {  	[sflag:s26] =	ssyncset.done $0x0  }
0xd1: {  	s28 =	sadd.s32 $0x1, s28;
	[sflag:s26] =	ssyncadd.s32 $0xFFFFC000  }
0xd2: {  	p0 =	sne.s32 s28, s11;
	_ =	swait.ge [sflag:s22], $0x4000  }
.Ltmp6:
0xd3: {  	[sflag:s22] =	ssyncset.done $0x0;
	(pc) =	sbr.rel @p0 .LBB2_1-.Ltmp6, $4  }
0xd4: {  	[sflag:s22] =	ssyncadd.s32 $0xFFFFC000  }
0xd5: {  	_ =	swait.ge [sflag:s25], $0x4000  }
0xd6: {  	[sflag:s25] =	ssyncset.done $0x0  }
0xd7: {  	[sflag:s25] =	ssyncadd.s32 $0xFFFFC000  }
0xd8: {  	_ =	sfence.sel $0x180000  }
0xd9: {  	[bflag:$0x0] =	sbarrier.arrive $0xFFFF  }
0xda: {  	_ =	strace $0x90000047  }
0xdb: {  	s0 =	stileid.u32;
	[bflag:$0x2] =	sbarrier.arrive $0xFFFF  }
0xdc: {  	p0 =	sne.s32 s0, $0x0;
	s0 =	rddreg [dreg:$0x2]  }
0xdd: {  	s0 =	sadd.s32 @!p0 $0x100000, s0  }
0xde: {  	[sflag:s0] =	ssyncadd.tile.s32 @!p0 $0x1;
	_ =	shalt  }
.Lfunc_end2:
_tile_overlayer_lowered:
.L_overlay_start_2:
0xdf: {  	(tag) =	ssettag $0x2  }
0xe0: {  	s0 =	rddreg [dreg:$0x0];
	s2 =	stileid.u32  }
0xe1: {  	s1 =	rddreg [dreg:$0x1];
	p0 =	sne.s32 s2, $0x0  }
0xe2: {  	s3 =	rddreg [dreg:$0x2];
	[bflag:$0x3] =	sbarrier.arrive $0xFFFF;
	s2 =	simm.s32 @!p0 $0x1C07  }
0xe3: {  	[timem:s3], [sflag:s2] =	dma.local @!p0 [hbm:s0], s1  }
0xe4: {  	s0 =	simm.s32 @!p0 $0x7  }
0xe5: {  	_ =	swait.ge @!p0 [sflag:s0], s1  }
0xe6: {  	s1 =	ssub.s32 @!p0 $0x0, s1;
	[sflag:s0] =	ssyncset.done @!p0 $0x0  }
0xe7: {  	[sflag:s0] =	ssyncadd.s32 @!p0 s1  }
0xe8: {  	[bflag:$0x3] =	sbarrier.arrive $0xFFFF  }
0xe9: {  	_ =	shalt  }

// kernel: sparse-core-data-format-call.cloned.1.call-start
scs
called_computation_lowered:
.L_overlay_start_0:
0x0: {  	s2 =	sld [smem:$0x3FD9]  }
0x1: {  	s3 =	sld [smem:$0x3FFE];
	_ =	sdelay $0x1  }
0x2: {  	s1 =	srdreg.scid  }
0x3: {  	s0 =	sand.u32 $0x1, s1  }
0x4: {  	s18 =	sshll.u32 s0, $0xA;
	s2 =	sadd.s32 s3, s2  }
0x5: {  	s2 =	sadd.s32 s2, s18  }
0x6: {  	[smem:$0x3FC6] =	sst s2  }
0x7: {  	_ = 	snop  }
0x8: {  	s2 =	sld [smem:$0x3FD0];
	(tm) =	ssettm $0x1  }
0x9: {  	s19 =	sld [smem:$0x3FFB];
	_ =	sdelay $0x3  }
0xa: {  	_ =	strace s19  }
0xb: {  	s3 =	sld [smem:$0x3FFC];
	_ =	sdelay $0x3  }
0xc: {  	_ =	strace s3  }
0xd: {  	s3 =	sld [smem:$0x3FFD];
	_ =	sdelay $0x3  }
0xe: {  	_ =	strace s3  }
0xf: {  	_ =	strace $0x8FFFFFFF  }
0x10: {  	s20 =	sld [smem:$0x3FDB];
	_ =	sdelay $0x1  }
0x11: {  	s4 =	simm.s32 $_scs_section_size  }
0x12: {  	s5 =	simm.s32 $_size__tile_overlayer_lowered;
	s6 =	simm.s32 $_tile_overlayer_lowered  }
0x13: {  	s23 =	simm.s32 $0x1BFF;
	s22 =	sshll.u32 s6, $0x1;
	s3 =	sadd.s32 s4, s20  }
0x14: {  	s7 =	simm.s32 $0x0;
	s21 =	sshll.u32 s5, $0x1;
	s5 =	sadd.s32 s22, s3  }
0x15: {  	[timem:s7], [sflag:s23] =	dma.local [hbm:s5], s21  }
0x16: {  	_ =	swait.ge [sflag:s23], s21  }
0x17: {  	s4 =	ssub.s32 $0x0, s21;
	[sflag:s23] =	ssyncset.done $0x0  }
0x18: {  	[sflag:s23] =	ssyncadd.s32 s4;
	_ =	sdelay $0x1  }
0x19: {  	s24 =	simm.s32 $0x1B8B  }
0x1a: {  	_ =	swait.ge [sflag:s24], $0x1  }
0x1b: {  	[sflag:s24] =	ssyncset.done $0x0  }
0x1c: {  	s26 =	simm.s32 $0x1B8E;
	s25 =	sld [smem:$0x3FFE];
	[sflag:s24] =	ssyncadd.s32 $0xFFFFFFFF  }
0x1d: {  	s27 =	simm.s32 $execute0_lowered;
	[smem:$0x3FD2] =	sst s26  }
0x1e: {  	s5 =	sshll.u32 s27, $0x1;
	_ =	strace $0x80000049;
	[dreg:$0x1] =	wrdreg $0xFFFFFFFF  }
0x1f: {  	s28 =	simm.s32 $_size_execute0_lowered;
	s3 =	sadd.s32 s3, s5;
	[dreg:$0x0] =	wrdreg $0x0  }
0x20: {  	s5 =	sshll.u32 s28, $0x1;
	[dreg:$0x2] =	wrdreg s3  }
0x21: {  	[dreg:$0x3] =	wrdreg s5  }
0x22: {  	[dreg:$0x4] =	wrdreg $0xC0  }
0x23: {  	_ =	task [dreg:s7], $0x5FFFF  }
0x24: {  	[dreg:$0x1] =	wrdreg $0xFFFFFFFF  }
0x25: {  	[dreg:$0x0] =	wrdreg $0x60  }
0x26: {  	[dreg:$0x2] =	wrdreg s25  }
0x27: {  	[dreg:$0x3] =	wrdreg s2  }
0x28: {  	[dreg:$0x4] =	wrdreg $0x9  }
0x29: {  	_ =	task.clear_ibuf [dreg:s7], $0x5FFFF;
	_ =	strace $0x90000049  }
0x2a: {  	s29 =	simm.s32 $0x9;
	_ =	strace $0x8000004B  }
0x2b: {  	_ =	swait.ge [sflag:s29], $0x1  }
0x2c: {  	[sflag:s29] =	ssyncadd.s32 $0xFFFFFFFF  }
0x2d: {  	_ =	strace $0x9000004B  }
0x2e: {  	_ =	sfence  }
0x2f: {  	s30 =	sld [smem:$0x0];
	_ =	sdelay $0x2  }
0x30: {  	s31 =	sshll.u32 s1, $0xD;
	s1 =	sshrl.u32 s1, $0x2  }
0x31: {  	s3 =	sand.u32 $0x4000, s31;
	s1 =	sadd.s32 s1, s30  }
0x32: {  	s0 =	sor.u32 s3, s0;
	s1 =	sshll.u32 s1, $0x11  }
0x33: {  	s0 =	sor.u32 s1, s0  }
0x34: {  	s0 =	sadd.s32 $0x8F2B, s0  }
0x35: {  	[sflag:s0] =	ssyncadd.remote.s32 $0x1  }
0x36: {  	_ =	sfence.sel $0xFFFF  }
0x37: {  	[dreg:$0x0] =	wrdreg $0xFFFFFFFF;
	(pc) =	sbr.abs _section_cstart, $3  }
0x38: {  	[dreg:$0x1] =	wrdreg $0xFFFFFFFF  }
0x39: {  	_ =	task.clear_ibuf [dreg:s7], $0x2FFFF;
	_ =	strace $0x9FFFFFFF  }
0x3a: {  	(tm) =	ssettm $0x7FFFFFFF  }
0x3b: {  	_ =	shalt  }
tec
execute0_lowered:
.L_overlay_start_1:
0x0: {  	(tag) =	ssettag $0x1  }
0x1: {  	s0 =	srdreg.scid  }
0x2: {  	s1 =	sshll.u32 s0, $0x4  }
0x3: {  	s5 =	rddreg [dreg:$0x0];
	s0 =	stileid.u32;
	s1 =	sand.u32 $0x10, s1  }
0x4: {  	s3 =	rddreg [dreg:$0x1];
	s31 =	simm.s32 $0x2;
	s4 =	sor.u32 s0, s1  }
0x5: {  	s13 =	simm.s32 $0x0;
	s9 =	simm.s32 $0x400;
	s2 =	sshll.u32 s4, $0x7  }
0x6: {  	s10 =	simm.s32 $0x8000;
	s14 =	simm.s32 $0x0;
	s6 =	ssub.s32 $0x1000, s2  }
0x7: {  	s1 =	rddreg [dreg:$0x2];
	_ =	strace $0x8000004A;
	s7 =	sand.u32 $0xF80, s6  }
0x8: {  	s4 =	sshll.u32 s4, $0xB;
	p0 =	sne.s32 s7, $0x0;
	s7 =	simm.s32 $0x1  }
.Ltmp0:
0x9: {  	s6 =	sshrl.u32 s6, $0xC;
	s7 =	simm.s32 @!p0 $0x0;
	(pc) =	sbr.rel .LBB1_1-.Ltmp0, $4  }
0xa: {  	s8 =	sadd.s32 s4, s5;
	s4 =	simm.s32 $0x1;
	s30 =	sadd.s32 s7, s6  }
0xb: {  	s11 =	simm.s32 $0x0;
	[sflag:s4] =	ssyncpa.u1 $0x0;
	s5 =	smul.u32 $0x64, s30  }
0xc: {  	s12 =	simm.s32 $0x0;
	[sflag:s31] =	ssyncpa.u1 $0x0;
	p0 =	por $0x0, $0x0  }
0xd: {  	s6 =	sadd.s32 $0xA00, s8;
	s7 =	sadd.s32 $0x10A00, s8;
	s8 =	sor.u32 $0x1, s5  }
.LBB1_7:
0xe: {  	s15 =	sadd.s32 $0x2, s11  }
0xf: {  	p2 =	sgt.s32 s15, $0xC7  }
0x10: {  	s15 =	simm.s32 @p2 $0x0;
	p2 =	sne.s32 s12, s8  }
.Ltmp1:
0x11: {  	p1 =	slt.u32 s12, $0x2;
	(pc) =	sbr.rel @!p2 .LBB1_8-.Ltmp1, $4  }
0x12: {  	s13 =	simm.s32 @!p1 $0x2  }
0x13: {  	s16 =	sadd.s32 $0x1, s12;
	s14 =	smov.u32 s11;
	_ =	swait.ge @!p1 [sflag:s13], $0x4000  }
0x14: {  	p0 =	por !p0, !p0;
	s12 =	smov.u32 s16;
	[sflag:s13] =	ssyncset.done @!p1 $0x0  }
0x15: {  	s11 =	smov.u32 s15;
	[sflag:s13] =	ssyncadd.s32 @!p1 $0xFFFFC000;
	s13 =	smov.u32 s2  }
.LBB1_1:
0x16: {  	p1 =	sge.u32 s12, s5  }
0x17: {  	s15 =	sxor.u32 @!p1 $0xFFFFFFFF, s12  }
0x18: {  	s16 =	sshll.u32 @!p1 s11, $0x10;
	s18 =	simm.s32 @!p1 $0x40;
	s15 =	sshll.u32 @!p1 s15, $0xE  }
0x19: {  	s19 =	simm.s32 @!p1 $0x80;
	s17 =	sadd.s32 @!p1 s16, s6;
	s15 =	sand.u32 @!p1 $0x4000, s15  }
0x1a: {  	[tilespmem:s15], [sflag:$0x1] =	stream.strided.gather @!p1 [hbm4b:s17+s18], $0x2000, s19, s18, $0x38;
	[tilespmem:$0x10100] =	vst v63  }
0x1b: {  	s31 =	sadd.s32 $0xFFFFFFFF, s12;
	s16 =	sadd.s32 @!p1 s16, s7;
	s15 =	sor.u32 @!p1 $0x2000, s15  }
0x1c: {  	[tilespmem:s15], [sflag:$0x1] =	stream.strided.gather @!p1 [hbm4b:s16+s18], $0x2000, s19, s18, $0x38;
	[tilespmem:$0x10100] =	vst v63  }
0x1d: {  	p1 =	sge.u32 s31, s5  }
.Ltmp2:
0x1e: {  	_ = 	snop;
	(pc) =	sbr.rel @p1 .LBB1_7-.Ltmp2, $1  }
0x1f: {  	_ =	sdelay $0x3  }
0x20: {  	s15 =	simm.s32 $0x1;
	s17 =	sand.u32 $0x1, s12  }
0x21: {  	_ =	swait.ge [sflag:s4], $0x4000;
	s15 =	simm.s32 @!p0 $0x0;
	s17 =	smul.u32 $0x10200, s17  }
0x22: {  	p2 =	por $0x1, $0x1;
	[sflag:s4] =	ssyncset.done $0x0;
	s16 =	smul.u32 $0x10200, s15  }
0x23: {  	s18 =	sshll.u32 s15, $0x10;
	[sflag:s4] =	ssyncadd.s32 $0xFFFFC000;
	s30 =	sshrl.u32 s17, $0x2  }
0x24: {  	s31 =	sshrl.u32 s18, $0x2;
	s18 =	simm.s32 $0x0;
	s16 =	sshrl.u32 s16, $0x2  }
0x25: {  	s15 =	sor.u32 $0x8000, s30;
	s17 =	sadd.s32 $0x20, s31;
	s16 =	sor.u32 $0x8000, s16  }
.LBB1_3:
0x26: {  	s19 =	sshll.u32 s18, $0xD  }
0x27: {  	s19 =	sand.u32 $0x3FFFE000, s19  }
0x28: {  	s21 =	sadd.s32 s19, s17  }
0x29: {  	s31 =	smul.u32 $0x8100, s18;
	v3 =	vld [tilespmem:s21+$0x10]  }
0x2a: {  	v1 =	vld [tilespmem:s21+$0xFFFFFFF0]  }
0x2b: {  	s18 =	sshra.s32 s31, $0x2;
	v0 =	vld [tilespmem:s21+$0x0]  }
0x2c: {  	s18 =	sadd.s32 s18, s16;
	v2 =	vld [tilespmem:s21+$0xFFFFFFE0]  }
0x2d: {  	s19 =	sadd.s32 $0x0, s18  }
0x2e: {  	p1 =	por p2, p2;
	s20 =	simm.s32 $0x4;
	s21 =	sadd.s32 $0x40, s21;
	[tilespmem:s19+$0x1830 ss:$0x81] =	vst.msk $0xffff, v3  }
.LBB1_4:
0x2f: {  	v3 =	vld [tilespmem:s21+$0x10];
	p2 =	sne.s32 s20, $0x1FC;
	[tilespmem:s19+$0x810 ss:$0x81] =	vst.msk $0xffff, v1;
	s22 =	smov.u32 s20;
	s20 =	sadd.s32 $0x4, s20  }
.Ltmp3:
0x30: {  	v1 =	vld [tilespmem:s21+$0xFFFFFFF0];
	[tilespmem:s19+$0x1020 ss:$0x81] =	vst.msk $0xffff, v0;
	(pc) =	sbr.rel @p2 .LBB1_4-.Ltmp3, $4  }
0x31: {  	v0 =	vld [tilespmem:s21+$0x0];
	[tilespmem:s19+$0x0 ss:$0x81] =	vst.msk $0xffff, v2  }
0x32: {  	s19 =	sshra.s32 s22, $0x2;
	v2 =	vld [tilespmem:s21+$0xFFFFFFE0]  }
0x33: {  	s19 =	sadd.s32 s19, s18  }
0x34: {  	s21 =	sadd.s32 $0x40, s21;
	[tilespmem:s19+$0x1830 ss:$0x81] =	vst.msk $0xffff, v3  }
.Ltmp4:
0x35: {  	(pc) =	sbr.rel @p1 .LBB1_3-.Ltmp4, $4  }
0x36: {  	_ = 	snop  }
0x37: {  	[tilespmem:s19+$0x810 ss:$0x81] =	vst.msk $0xffff, v1  }
0x38: {  	[tilespmem:s19+$0x1020 ss:$0x81] =	vst.msk $0xffff, v0  }
0x39: {  	s18 =	simm.s32 $0x1;
	p2 =	por $0x0, $0x0;
	[tilespmem:s19+$0x0 ss:$0x81] =	vst.msk $0xffff, v2  }
.Ltmp5:
0x3a: {  	(pc) =	sbr.rel .LBB1_7-.Ltmp5, $4  }
0x3b: {  	s14 =	sshll.u32 s14, $0xF  }
0x3c: {  	s14 =	sadd.s32 s3, s14  }
0x3d: {  	s13 =	sadd.s32 s13, s14  }
0x3e: {  	[hbm4b:s13+s9] =	stream.strided.scatter [tilespmem:s15], [sflag:$0x2], $0x4000, s10, s9, $0x20;
	[tilespmem:$0x10100] =	vst v63  }
.LBB1_8:
0x3f: {  	_ =	sfence.sel $0x180000  }
0x40: {  	s2 =	simm.s32 $0x1;
	[bflag:$0x0] =	sbarrier.arrive $0xFFFF  }
0x41: {  	s31 =	simm.s32 $0x2;
	[sflag:s2] =	ssyncpa.u1 $0x1  }
0x42: {  	[sflag:s31] =	ssyncpa.u1 $0x1  }
0x43: {  	p0 =	sne.s32 s0, $0x0;
	_ =	strace $0x9000004A  }
0x44: {  	s0 =	sadd.s32 @!p0 $0x100000, s1;
	[bflag:$0x2] =	sbarrier.arrive $0xFFFF  }
0x45: {  	[sflag:s0] =	ssyncadd.tile.s32 @!p0 $0x1;
	_ =	shalt  }
.Lfunc_end1:
_tile_overlayer_lowered:
.L_overlay_start_2:
0x46: {  	(tag) =	ssettag $0x2  }
0x47: {  	s0 =	rddreg [dreg:$0x0];
	s2 =	stileid.u32  }
0x48: {  	s1 =	rddreg [dreg:$0x1];
	p0 =	sne.s32 s2, $0x0  }
0x49: {  	s3 =	rddreg [dreg:$0x2];
	[bflag:$0x3] =	sbarrier.arrive $0xFFFF;
	s2 =	simm.s32 @!p0 $0x1C01  }
0x4a: {  	[timem:s3], [sflag:s2] =	dma.local @!p0 [hbm:s0], s1  }
0x4b: {  	s0 =	simm.s32 @!p0 $0x1  }
0x4c: {  	_ =	swait.ge @!p0 [sflag:s0], s1  }
0x4d: {  	s1 =	ssub.s32 @!p0 $0x0, s1;
	[sflag:s0] =	ssyncset.done @!p0 $0x0  }
0x4e: {  	[sflag:s0] =	ssyncadd.s32 @!p0 s1  }
0x4f: {  	[bflag:$0x3] =	sbarrier.arrive $0xFFFF  }
0x50: {  	_ =	shalt  }

</sc_bundles>
